<compile_context>
chip_gen: v7x
topology: tpu7x:2x2x1
jax: 0.10.2.dev20260603
libtpu: 0.0.44.dev20260713+nightly
codegen_flags: <defaults>
</compile_context>

<pallas_src>
import jax
import jax.numpy as jnp
from jax import lax
from jax.experimental import pallas as pl
from jax.experimental.pallas import tpu as pltpu
from jax.experimental.pallas import tpu_sc as plsc

N = 10000
E = 320000
HID = 64
NUM_GRAPHS = 128
NC = 2
NS = 16
EW = E // (NC * NS)
CHUNK = 400
NCH = EW // CHUNK
NP = 10240
ROWS_PER_TILE = NP // NS
BLK = 2000
GRID = N // BLK


def _mm_body(x_ref, pp_ref, wx_ref, wp_ref, b_ref, o_ref):
    o_ref[...] = (
        jnp.dot(x_ref[...], wx_ref[...], preferred_element_type=jnp.float32)
        + jnp.dot(pp_ref[...], wp_ref[...], preferred_element_type=jnp.float32)
        + b_ref[...]
    )


def _tc_matmul(x, posp, wx, wp, b):
    m, k = x.shape
    kp = posp.shape[1]
    return pl.pallas_call(
        _mm_body,
        grid=(m // BLK,),
        in_specs=[
            pl.BlockSpec((BLK, k), lambda i: (i, 0)),
            pl.BlockSpec((BLK, kp), lambda i: (i, 0)),
            pl.BlockSpec((k, 2 * HID), lambda i: (0, 0)),
            pl.BlockSpec((kp, 2 * HID), lambda i: (0, 0)),
            pl.BlockSpec((1, 2 * HID), lambda i: (0, 0)),
        ],
        out_specs=pl.BlockSpec((BLK, 2 * HID), lambda i: (i, 0)),
        out_shape=jax.ShapeDtypeStruct((m, 2 * HID), jnp.float32),
    )(x, posp, wx, wp, b)


def _mean_relu(agg, deg, prev):
    d = deg[:, 0:1] + deg[:, 8:9]
    mean = (agg[:, :HID] + agg[:, HID:]) / jnp.maximum(d, 1.0)
    return jax.nn.relu(mean + prev[:, HID:])


def _combine_mm_body(agg_ref, deg_ref, prev_ref, w_ref, b_ref, o_ref):
    h = _mean_relu(agg_ref[...], deg_ref[...], prev_ref[...])
    o_ref[...] = (
        jnp.dot(h, w_ref[...], preferred_element_type=jnp.float32) + b_ref[...]
    )


def _tc_combine_matmul(agg, deg, prev, w, b):
    return pl.pallas_call(
        _combine_mm_body,
        grid=(GRID,),
        in_specs=[
            pl.BlockSpec((BLK, 2 * HID), lambda i: (i, 0)),
            pl.BlockSpec((BLK, 2 * HID), lambda i: (i, 0)),
            pl.BlockSpec((BLK, 2 * HID), lambda i: (i, 0)),
            pl.BlockSpec((HID, 2 * HID), lambda i: (0, 0)),
            pl.BlockSpec((1, 2 * HID), lambda i: (0, 0)),
        ],
        out_specs=pl.BlockSpec((BLK, 2 * HID), lambda i: (i, 0)),
        out_shape=jax.ShapeDtypeStruct((N, 2 * HID), jnp.float32),
    )(agg, deg, prev, w, b)


def _pool_body(agg_ref, deg_ref, prev_ref, bat_ref, wl_ref, bl_ref,
               o_ref, gacc, cacc):
    i = pl.program_id(0)

    @pl.when(i == 0)
    def _():
        gacc[...] = jnp.zeros_like(gacc)
        cacc[...] = jnp.zeros_like(cacc)

    h = _mean_relu(agg_ref[...], deg_ref[...], prev_ref[...])
    bat = bat_ref[...].reshape(1, BLK)
    gid = lax.broadcasted_iota(jnp.int32, (NUM_GRAPHS, BLK), 0)
    onehot_t = (gid == bat).astype(jnp.float32)
    gacc[...] += jnp.dot(onehot_t, h, preferred_element_type=jnp.float32)
    cacc[...] += jnp.sum(onehot_t, axis=1, keepdims=True)

    @pl.when(i == GRID - 1)
    def _():
        g = gacc[...] / jnp.maximum(cacc[...], 1.0)
        o_ref[...] = (
            jnp.dot(g, wl_ref[...], preferred_element_type=jnp.float32)
            + bl_ref[...]
        )


def _tc_pool(agg, deg, prev, batf, w_lin, b_lin):
    return pl.pallas_call(
        _pool_body,
        grid=(GRID,),
        in_specs=[
            pl.BlockSpec((BLK, 2 * HID), lambda i: (i, 0)),
            pl.BlockSpec((BLK, 2 * HID), lambda i: (i, 0)),
            pl.BlockSpec((BLK, 2 * HID), lambda i: (i, 0)),
            pl.BlockSpec((1, 1, BLK), lambda i: (i, 0, 0)),
            pl.BlockSpec((HID, 1), lambda i: (0, 0)),
            pl.BlockSpec((1, 1), lambda i: (0, 0)),
        ],
        out_specs=pl.BlockSpec((NUM_GRAPHS, 1), lambda i: (0, 0)),
        out_shape=jax.ShapeDtypeStruct((NUM_GRAPHS, 1), jnp.float32),
        scratch_shapes=[
            pltpu.VMEM((NUM_GRAPHS, HID), jnp.float32),
            pltpu.VMEM((NUM_GRAPHS, 1), jnp.float32),
        ],
    )(agg, deg, prev, batf, w_lin, b_lin)


def _sc_agg_call(table, src, dst, zeros64, zeros8=None, ones=None,
                 with_deg=False):
    mesh = plsc.VectorSubcoreMesh(core_axis_name="c", subcore_axis_name="s",
                                  num_cores=NC, num_subcores=NS)

    out_type = [jax.ShapeDtypeStruct((NP, 2 * HID), jnp.float32)]
    scratch = [
        pltpu.VMEM((NCH, CHUNK), jnp.int32),
        pltpu.VMEM((NCH, CHUNK), jnp.int32),
        pltpu.VMEM((CHUNK, HID), jnp.float32),
        pltpu.SemaphoreType.DMA,
        pltpu.VMEM((CHUNK, HID), jnp.float32),
        pltpu.SemaphoreType.DMA,
        pltpu.VMEM_SHARED((NP, HID), jnp.float32),
    ]
    if with_deg:
        out_type.append(jax.ShapeDtypeStruct((NP, 2 * HID), jnp.float32))
        scratch += [
            pltpu.VMEM((CHUNK, 8), jnp.float32),
            pltpu.VMEM_SHARED((NP, 8), jnp.float32),
        ]

    def body(*refs):
        if with_deg:
            (p_h, src_h, dst_h, z64_h, z8_h, ones_h, out_h, deg_h,
             srcv, dstv, msgv0, sem0, msgv1, sem1, acc, onesv, dacc) = refs
        else:
            (p_h, src_h, dst_h, z64_h, out_h,
             srcv, dstv, msgv0, sem0, msgv1, sem1, acc) = refs
        c = lax.axis_index("c")
        s = lax.axis_index("s")
        wid = c * NS + s
        r0 = s * ROWS_PER_TILE

        pltpu.sync_copy(src_h.at[wid], srcv)
        pltpu.sync_copy(dst_h.at[wid], dstv)
        pltpu.sync_copy(z64_h.at[pl.ds(r0, ROWS_PER_TILE)],
                        acc.at[pl.ds(r0, ROWS_PER_TILE)])
        if with_deg:
            pltpu.sync_copy(z8_h.at[pl.ds(r0, ROWS_PER_TILE)],
                            dacc.at[pl.ds(r0, ROWS_PER_TILE)])
            pltpu.sync_copy(ones_h, onesv)
        plsc.subcore_barrier()

        def gather(i, msgv, sem):
            pltpu.async_copy(p_h.at[srcv.at[i]], msgv, sem)

        def drain_scatter(i, msgv, sem):
            pltpu.make_async_copy(p_h.at[srcv.at[i]], msgv, sem).wait()
            pltpu.sync_copy(msgv, acc.at[dstv.at[i]], add=True)
            if with_deg:
                pltpu.sync_copy(onesv, dacc.at[dstv.at[i]], add=True)

        gather(0, msgv0, sem0)

        def two(j, carry):
            gather(2 * j + 1, msgv1, sem1)
            drain_scatter(2 * j, msgv0, sem0)
            gather(2 * j + 2, msgv0, sem0)
            drain_scatter(2 * j + 1, msgv1, sem1)
            return carry

        lax.fori_loop(0, (NCH - 1) // 2, two, 0)
        drain_scatter(NCH - 1, msgv0, sem0)
        plsc.subcore_barrier()

        pltpu.sync_copy(acc.at[pl.ds(r0, ROWS_PER_TILE)],
                        out_h.at[pl.ds(r0, ROWS_PER_TILE),
                                 pl.ds(c * HID, HID)])
        if with_deg:
            pltpu.sync_copy(dacc.at[pl.ds(r0, ROWS_PER_TILE)],
                            deg_h.at[pl.ds(r0, ROWS_PER_TILE),
                                     pl.ds(c * 8, 8)])

    fn = pl.kernel(
        body, out_type=out_type, mesh=mesh, scratch_types=scratch,
        compiler_params=pltpu.CompilerParams(use_tc_tiling_on_sc=False),
    )
    if with_deg:
        return fn(table, src, dst, zeros64, zeros8, ones)
    return fn(table, src, dst, zeros64)


def kernel(x, pos, edge_index, batch, W1_l, W1_r, b1, W2_l, W2_r, b2,
           W_lin, b_lin):
    f32 = jnp.float32
    src2 = (edge_index[0].astype(jnp.int32) * 2).reshape(NC * NS, NCH, CHUNK)
    dst = edge_index[1].astype(jnp.int32).reshape(NC * NS, NCH, CHUNK)

    posp = jnp.pad(pos, ((0, 0), (0, 5)))
    w1 = jnp.concatenate([W1_l, W1_r], axis=1)
    w1x = w1[:x.shape[1]]
    w1p = jnp.pad(w1[x.shape[1]:], ((0, 5), (0, 0)))
    b1cat = jnp.concatenate([jnp.zeros((HID,), f32), b1]).reshape(1, 2 * HID)
    out1 = _tc_matmul(x, posp, w1x, w1p, b1cat)

    zeros64 = jnp.zeros((NP, HID), f32)
    zeros8 = jnp.zeros((NP, 8), f32)
    ones = jnp.ones((CHUNK, 8), f32)

    agg1, deg = _sc_agg_call(out1.reshape(2 * N, HID), src2, dst,
                             zeros64, zeros8, ones, True)

    w2 = jnp.concatenate([W2_l, W2_r], axis=1)
    b2cat = jnp.concatenate([jnp.zeros((HID,), f32), b2]).reshape(1, 2 * HID)
    out2 = _tc_combine_matmul(agg1, deg, out1, w2, b2cat)

    (agg2,) = _sc_agg_call(out2.reshape(2 * N, HID), src2, dst, zeros64)

    batf = batch.astype(jnp.int32).reshape(GRID, 1, BLK)
    out = _tc_pool(agg2, deg, out2, batf, W_lin, b_lin.reshape(1, 1))
    return out

# --- scband reference (transcript-rebuilt; emitter-appended) ---
"""Pipeline reference for scband-graph-sage-32727650795728 (READ-ONLY COPY).

The authoritative reference and input builder live on the scoring server;
editing this copy changes nothing except your own understanding.
"""

import jax, jax.numpy as jnp
import numpy as np

N = 10000
E = 320000
D_FEAT = 128
D_IN = D_FEAT + 3
HID = 64
NUM_GRAPHS = 128


def setup_inputs(seed: int = 0) -> dict:
    key = jax.random.key(seed)
    ks = jax.random.split(key, 12)
    x = jax.random.normal(ks[0], (N, D_FEAT), dtype=jnp.float32)
    pos = jax.random.normal(ks[1], (N, 3), dtype=jnp.float32)
    edge_index = jax.random.randint(ks[2], (2, E), 0, N, dtype=jnp.int64)
    batch = jnp.sort(jax.random.randint(ks[3], (N,), 0, NUM_GRAPHS, dtype=jnp.int64))
    s1 = 1.0 / np.sqrt(D_IN)
    s2 = 1.0 / np.sqrt(HID)
    W1_l = jax.random.uniform(ks[4], (D_IN, HID), minval=-s1, maxval=s1, dtype=jnp.float32)
    W1_r = jax.random.uniform(ks[5], (D_IN, HID), minval=-s1, maxval=s1, dtype=jnp.float32)
    b1 = jnp.zeros((HID,), dtype=jnp.float32)
    W2_l = jax.random.uniform(ks[6], (HID, HID), minval=-s2, maxval=s2, dtype=jnp.float32)
    W2_r = jax.random.uniform(ks[7], (HID, HID), minval=-s2, maxval=s2, dtype=jnp.float32)
    b2 = jnp.zeros((HID,), dtype=jnp.float32)
    W_lin = jax.random.uniform(ks[8], (HID, 1), minval=-s2, maxval=s2, dtype=jnp.float32)
    b_lin = jnp.zeros((1,), dtype=jnp.float32)
    return {"x": x, "pos": pos, "edge_index": edge_index, "batch": batch,
            "W1_l": W1_l, "W1_r": W1_r, "b1": b1,
            "W2_l": W2_l, "W2_r": W2_r, "b2": b2,
            "W_lin": W_lin, "b_lin": b_lin}


def _sage_conv(h, edge_index, W_l, W_r, b):
    # PyG SAGEConv with mean aggregation: out = mean_{j in N(i)} h_j @ W_l + h_i @ W_r + b
    src = edge_index[0]
    dst = edge_index[1]
    msgs = jnp.take(h, src, axis=0)
    agg = jax.ops.segment_sum(msgs, dst, num_segments=h.shape[0])
    cnt = jax.ops.segment_sum(jnp.ones((src.shape[0],), dtype=h.dtype), dst, num_segments=h.shape[0])
    mean = agg / jnp.clip(cnt, 1.0)[:, None]
    return mean @ W_l + h @ W_r + b


def _global_mean_pool(h, batch, num_graphs):
    s = jax.ops.segment_sum(h, batch, num_segments=num_graphs)
    c = jax.ops.segment_sum(jnp.ones((h.shape[0],), dtype=h.dtype), batch, num_segments=num_graphs)
    return s / jnp.clip(c, 1.0)[:, None]


def reference(x, pos, edge_index, batch, W1_l, W1_r, b1, W2_l, W2_r, b2, W_lin, b_lin):
    h = jnp.concatenate([x, pos], axis=1)
    h = jax.nn.relu(_sage_conv(h, edge_index, W1_l, W1_r, b1))
    h = jax.nn.relu(_sage_conv(h, edge_index, W2_l, W2_r, b2))
    g = _global_mean_pool(h, batch, NUM_GRAPHS)
    out = g @ W_lin + b_lin
    return out

if __name__ == "__main__":
    import jax
    _d = setup_inputs()
    print(jax.jit(kernel)(*tuple(_d.values())))

</pallas_src>

<mosaic_0001>
#map = affine_map<(d0, d1) -> (0, 0)>
#map1 = affine_map<(d0, d1) -> (0, 0, 0)>
module attributes {stable_mosaic.version = 14 : i64} {
  func.func @body(%arg0: i32, %arg1: i32, %arg2: memref<20000x64xf32, #tpu.memory_space<hbm>>, %arg3: memref<32x25x400xi32, #tpu.memory_space<hbm>>, %arg4: memref<32x25x400xi32, #tpu.memory_space<hbm>>, %arg5: memref<10240x64xf32, #tpu.memory_space<hbm>>, %arg6: memref<10240x8xf32, #tpu.memory_space<hbm>>, %arg7: memref<400x8xf32, #tpu.memory_space<hbm>>, %arg8: memref<10240x128xf32, #tpu.memory_space<hbm>>, %arg9: memref<10240x128xf32, #tpu.memory_space<hbm>>, %arg10: memref<25x400xi32, #tpu.memory_space<vmem>>, %arg11: memref<25x400xi32, #tpu.memory_space<vmem>>, %arg12: memref<400x64xf32, #tpu.memory_space<vmem>>, %arg13: memref<!tpu.dma_semaphore, #tpu.memory_space<semaphore_mem>>, %arg14: memref<400x64xf32, #tpu.memory_space<vmem>>, %arg15: memref<!tpu.dma_semaphore, #tpu.memory_space<semaphore_mem>>, %arg16: memref<10240x64xf32, #tpu.memory_space<vmem_shared>>, %arg17: memref<400x8xf32, #tpu.memory_space<vmem>>, %arg18: memref<10240x8xf32, #tpu.memory_space<vmem_shared>>) attributes {dimension_semantics = [#tpu.dimension_semantics<core_parallel>, #tpu.dimension_semantics<subcore_parallel>], iteration_bounds = array<i64: 2, 16>, scalar_prefetch = 0 : i64, scratch_operands = 9 : i64, tpu.core_type = #tpu.core_type<sc_vector_subcore>, window_params = [{transform_indices = #map}, {transform_indices = #map1}, {transform_indices = #map1}, {transform_indices = #map}, {transform_indices = #map}, {transform_indices = #map}, {transform_indices = #map}, {transform_indices = #map}]} {
    %mul3A = arith.constant 16 : i32
    %mul3A_0 = arith.muli %arg0, %mul3A : i32
    %add3A = arith.addi %mul3A_0, %arg1 : i32
    %mul3A_1 = arith.constant 640 : i32
    %mul3A_2 = arith.muli %arg1, %mul3A_1 : i32
    "tpu.region"() ({
      %run_scoped3A_26 = tpu.sem_alloc : memref<!tpu.dma_semaphore, #tpu.memory_space<semaphore_mem>>
      %dma_start3A_27 = arith.constant 0 : i32
      %dma_start3A_28 = arith.constant 0 : i32
      %dma_start3A_29 = tpu.memref_slice %arg3[%add3A, %dma_start3A_27, %dma_start3A_28] : memref<32x25x400xi32, #tpu.memory_space<hbm>> -> memref<1x25x400xi32, #tpu.memory_space<hbm>>
      %dma_start3A_30 = tpu.memref_squeeze %dma_start3A_29 : memref<1x25x400xi32, #tpu.memory_space<hbm>> -> memref<25x400xi32, #tpu.memory_space<hbm>>
      %dma_start3A_31 = arith.constant 0 : i32
      %dma_start3A_32 = arith.constant 0 : i32
      %dma_start3A_33 = tpu.memref_slice %arg3[%add3A, %dma_start3A_31, %dma_start3A_32] : memref<32x25x400xi32, #tpu.memory_space<hbm>> -> memref<1x25x400xi32, #tpu.memory_space<hbm>>
      %dma_start3A_34 = tpu.memref_squeeze %dma_start3A_33 : memref<1x25x400xi32, #tpu.memory_space<hbm>> -> memref<25x400xi32, #tpu.memory_space<hbm>>
      tpu.enqueue_dma source(%dma_start3A_34 : memref<25x400xi32, #tpu.memory_space<hbm>>) target(%arg10 : memref<25x400xi32, #tpu.memory_space<vmem>>) target_semaphore(%run_scoped3A_26 : memref<!tpu.dma_semaphore, #tpu.memory_space<semaphore_mem>>)
      %dma_wait3A_35 = arith.constant 0 : i32
      %dma_wait3A_36 = arith.constant 0 : i32
      %dma_wait3A_37 = tpu.memref_slice %arg3[%add3A, %dma_wait3A_35, %dma_wait3A_36] : memref<32x25x400xi32, #tpu.memory_space<hbm>> -> memref<1x25x400xi32, #tpu.memory_space<hbm>>
      %dma_wait3A_38 = tpu.memref_squeeze %dma_wait3A_37 : memref<1x25x400xi32, #tpu.memory_space<hbm>> -> memref<25x400xi32, #tpu.memory_space<hbm>>
      %dma_wait3A_39 = arith.constant 0 : i32
      %dma_wait3A_40 = arith.constant 0 : i32
      %dma_wait3A_41 = tpu.memref_slice %arg3[%add3A, %dma_wait3A_39, %dma_wait3A_40] : memref<32x25x400xi32, #tpu.memory_space<hbm>> -> memref<1x25x400xi32, #tpu.memory_space<hbm>>
      %dma_wait3A_42 = tpu.memref_squeeze %dma_wait3A_41 : memref<1x25x400xi32, #tpu.memory_space<hbm>> -> memref<25x400xi32, #tpu.memory_space<hbm>>
      tpu.wait_dma2 semaphore(%run_scoped3A_26 : memref<!tpu.dma_semaphore, #tpu.memory_space<semaphore_mem>>) src(%dma_wait3A_42 : memref<25x400xi32, #tpu.memory_space<hbm>>) dst(%arg10 : memref<25x400xi32, #tpu.memory_space<vmem>>)
      tpu.yield
    }) : () -> ()
    "tpu.region"() ({
      %run_scoped3A_26 = tpu.sem_alloc : memref<!tpu.dma_semaphore, #tpu.memory_space<semaphore_mem>>
      %dma_start3A_27 = arith.constant 0 : i32
      %dma_start3A_28 = arith.constant 0 : i32
      %dma_start3A_29 = tpu.memref_slice %arg4[%add3A, %dma_start3A_27, %dma_start3A_28] : memref<32x25x400xi32, #tpu.memory_space<hbm>> -> memref<1x25x400xi32, #tpu.memory_space<hbm>>
      %dma_start3A_30 = tpu.memref_squeeze %dma_start3A_29 : memref<1x25x400xi32, #tpu.memory_space<hbm>> -> memref<25x400xi32, #tpu.memory_space<hbm>>
      %dma_start3A_31 = arith.constant 0 : i32
      %dma_start3A_32 = arith.constant 0 : i32
      %dma_start3A_33 = tpu.memref_slice %arg4[%add3A, %dma_start3A_31, %dma_start3A_32] : memref<32x25x400xi32, #tpu.memory_space<hbm>> -> memref<1x25x400xi32, #tpu.memory_space<hbm>>
      %dma_start3A_34 = tpu.memref_squeeze %dma_start3A_33 : memref<1x25x400xi32, #tpu.memory_space<hbm>> -> memref<25x400xi32, #tpu.memory_space<hbm>>
      tpu.enqueue_dma source(%dma_start3A_34 : memref<25x400xi32, #tpu.memory_space<hbm>>) target(%arg11 : memref<25x400xi32, #tpu.memory_space<vmem>>) target_semaphore(%run_scoped3A_26 : memref<!tpu.dma_semaphore, #tpu.memory_space<semaphore_mem>>)
      %dma_wait3A_35 = arith.constant 0 : i32
      %dma_wait3A_36 = arith.constant 0 : i32
      %dma_wait3A_37 = tpu.memref_slice %arg4[%add3A, %dma_wait3A_35, %dma_wait3A_36] : memref<32x25x400xi32, #tpu.memory_space<hbm>> -> memref<1x25x400xi32, #tpu.memory_space<hbm>>
      %dma_wait3A_38 = tpu.memref_squeeze %dma_wait3A_37 : memref<1x25x400xi32, #tpu.memory_space<hbm>> -> memref<25x400xi32, #tpu.memory_space<hbm>>
      %dma_wait3A_39 = arith.constant 0 : i32
      %dma_wait3A_40 = arith.constant 0 : i32
      %dma_wait3A_41 = tpu.memref_slice %arg4[%add3A, %dma_wait3A_39, %dma_wait3A_40] : memref<32x25x400xi32, #tpu.memory_space<hbm>> -> memref<1x25x400xi32, #tpu.memory_space<hbm>>
      %dma_wait3A_42 = tpu.memref_squeeze %dma_wait3A_41 : memref<1x25x400xi32, #tpu.memory_space<hbm>> -> memref<25x400xi32, #tpu.memory_space<hbm>>
      tpu.wait_dma2 semaphore(%run_scoped3A_26 : memref<!tpu.dma_semaphore, #tpu.memory_space<semaphore_mem>>) src(%dma_wait3A_42 : memref<25x400xi32, #tpu.memory_space<hbm>>) dst(%arg11 : memref<25x400xi32, #tpu.memory_space<vmem>>)
      tpu.yield
    }) : () -> ()
    "tpu.region"() ({
      %run_scoped3A_26 = tpu.sem_alloc : memref<!tpu.dma_semaphore, #tpu.memory_space<semaphore_mem>>
      %dma_start3A_27 = arith.constant 0 : i32
      %dma_start3A_28 = tpu.memref_slice %arg16[%mul3A_2, %dma_start3A_27] : memref<10240x64xf32, #tpu.memory_space<vmem_shared>> -> memref<640x64xf32, #tpu.memory_space<vmem_shared>>
      %dma_start3A_29 = arith.constant 0 : i32
      %dma_start3A_30 = tpu.memref_slice %arg5[%mul3A_2, %dma_start3A_29] : memref<10240x64xf32, #tpu.memory_space<hbm>> -> memref<640x64xf32, #tpu.memory_space<hbm>>
      tpu.enqueue_dma source(%dma_start3A_30 : memref<640x64xf32, #tpu.memory_space<hbm>>) target(%dma_start3A_28 : memref<640x64xf32, #tpu.memory_space<vmem_shared>>) target_semaphore(%run_scoped3A_26 : memref<!tpu.dma_semaphore, #tpu.memory_space<semaphore_mem>>)
      %dma_wait3A_31 = arith.constant 0 : i32
      %dma_wait3A_32 = tpu.memref_slice %arg16[%mul3A_2, %dma_wait3A_31] : memref<10240x64xf32, #tpu.memory_space<vmem_shared>> -> memref<640x64xf32, #tpu.memory_space<vmem_shared>>
      %dma_wait3A_33 = arith.constant 0 : i32
      %dma_wait3A_34 = tpu.memref_slice %arg5[%mul3A_2, %dma_wait3A_33] : memref<10240x64xf32, #tpu.memory_space<hbm>> -> memref<640x64xf32, #tpu.memory_space<hbm>>
      tpu.wait_dma2 semaphore(%run_scoped3A_26 : memref<!tpu.dma_semaphore, #tpu.memory_space<semaphore_mem>>) src(%dma_wait3A_34 : memref<640x64xf32, #tpu.memory_space<hbm>>) dst(%dma_wait3A_32 : memref<640x64xf32, #tpu.memory_space<vmem_shared>>)
      tpu.yield
    }) : () -> ()
    "tpu.region"() ({
      %run_scoped3A_26 = tpu.sem_alloc : memref<!tpu.dma_semaphore, #tpu.memory_space<semaphore_mem>>
      %dma_start3A_27 = arith.constant 0 : i32
      %dma_start3A_28 = tpu.memref_slice %arg18[%mul3A_2, %dma_start3A_27] : memref<10240x8xf32, #tpu.memory_space<vmem_shared>> -> memref<640x8xf32, #tpu.memory_space<vmem_shared>>
      %dma_start3A_29 = arith.constant 0 : i32
      %dma_start3A_30 = tpu.memref_slice %arg6[%mul3A_2, %dma_start3A_29] : memref<10240x8xf32, #tpu.memory_space<hbm>> -> memref<640x8xf32, #tpu.memory_space<hbm>>
      tpu.enqueue_dma source(%dma_start3A_30 : memref<640x8xf32, #tpu.memory_space<hbm>>) target(%dma_start3A_28 : memref<640x8xf32, #tpu.memory_space<vmem_shared>>) target_semaphore(%run_scoped3A_26 : memref<!tpu.dma_semaphore, #tpu.memory_space<semaphore_mem>>)
      %dma_wait3A_31 = arith.constant 0 : i32
      %dma_wait3A_32 = tpu.memref_slice %arg18[%mul3A_2, %dma_wait3A_31] : memref<10240x8xf32, #tpu.memory_space<vmem_shared>> -> memref<640x8xf32, #tpu.memory_space<vmem_shared>>
      %dma_wait3A_33 = arith.constant 0 : i32
      %dma_wait3A_34 = tpu.memref_slice %arg6[%mul3A_2, %dma_wait3A_33] : memref<10240x8xf32, #tpu.memory_space<hbm>> -> memref<640x8xf32, #tpu.memory_space<hbm>>
      tpu.wait_dma2 semaphore(%run_scoped3A_26 : memref<!tpu.dma_semaphore, #tpu.memory_space<semaphore_mem>>) src(%dma_wait3A_34 : memref<640x8xf32, #tpu.memory_space<hbm>>) dst(%dma_wait3A_32 : memref<640x8xf32, #tpu.memory_space<vmem_shared>>)
      tpu.yield
    }) : () -> ()
    "tpu.region"() ({
      %run_scoped3A_26 = tpu.sem_alloc : memref<!tpu.dma_semaphore, #tpu.memory_space<semaphore_mem>>
      tpu.enqueue_dma source(%arg7 : memref<400x8xf32, #tpu.memory_space<hbm>>) target(%arg17 : memref<400x8xf32, #tpu.memory_space<vmem>>) target_semaphore(%run_scoped3A_26 : memref<!tpu.dma_semaphore, #tpu.memory_space<semaphore_mem>>)
      tpu.wait_dma2 semaphore(%run_scoped3A_26 : memref<!tpu.dma_semaphore, #tpu.memory_space<semaphore_mem>>) src(%arg7 : memref<400x8xf32, #tpu.memory_space<hbm>>) dst(%arg17 : memref<400x8xf32, #tpu.memory_space<vmem>>)
      tpu.yield
    }) : () -> ()
    %barrier3A = arith.constant 0 : index
    tpu.barrier barrier_id(%barrier3A)
    %dma_start3A = arith.constant 0 : i32
    %dma_start3A_3 = arith.constant 0 : i32
    %dma_start3A_4 = tpu.memref_slice %arg10[%dma_start3A, %dma_start3A_3] : memref<25x400xi32, #tpu.memory_space<vmem>> -> memref<1x400xi32, #tpu.memory_space<vmem>>
    %dma_start3A_5 = tpu.memref_squeeze %dma_start3A_4 : memref<1x400xi32, #tpu.memory_space<vmem>> -> memref<400xi32, #tpu.memory_space<vmem>>
    %dma_start3A_6 = arith.constant 0 : i32
    %dma_start3A_7 = arith.constant 0 : i32
    %dma_start3A_8 = tpu.memref_slice %arg2[%dma_start3A_6, %dma_start3A_7] : memref<20000x64xf32, #tpu.memory_space<hbm>> -> memref<20000x64xf32, #tpu.memory_space<hbm>>
    tpu.enqueue_indirect_dma source(%dma_start3A_8 : memref<20000x64xf32, #tpu.memory_space<hbm>>) target(%arg12 : memref<400x64xf32, #tpu.memory_space<vmem>>) offsets(%dma_start3A_5 : memref<400xi32, #tpu.memory_space<vmem>>) semaphore(%arg13 : memref<!tpu.dma_semaphore, #tpu.memory_space<semaphore_mem>>)
    %scan3A = arith.constant 0 : i32
    %scan3A_9 = arith.constant 0 : i32
    %scan3A_10 = arith.constant 12 : i32
    %scan3A_11 = arith.addi %scan3A_9, %scan3A_10 : i32
    %scan3A_12 = arith.constant 1 : i32
    scf.for %scan3A_26 = %scan3A_9 to %scan3A_11 step %scan3A_12  : i32 {
      %mul3A_27 = arith.constant 2 : i32
      %mul3A_28 = arith.muli %mul3A_27, %scan3A_26 : i32
      %add3A_29 = arith.constant 1 : i32
      %add3A_30 = arith.addi %mul3A_28, %add3A_29 : i32
      %dma_start3A_31 = arith.constant 0 : i32
      %dma_start3A_32 = tpu.memref_slice %arg10[%add3A_30, %dma_start3A_31] : memref<25x400xi32, #tpu.memory_space<vmem>> -> memref<1x400xi32, #tpu.memory_space<vmem>>
      %dma_start3A_33 = tpu.memref_squeeze %dma_start3A_32 : memref<1x400xi32, #tpu.memory_space<vmem>> -> memref<400xi32, #tpu.memory_space<vmem>>
      %dma_start3A_34 = arith.constant 0 : i32
      %dma_start3A_35 = arith.constant 0 : i32
      %dma_start3A_36 = tpu.memref_slice %arg2[%dma_start3A_34, %dma_start3A_35] : memref<20000x64xf32, #tpu.memory_space<hbm>> -> memref<20000x64xf32, #tpu.memory_space<hbm>>
      tpu.enqueue_indirect_dma source(%dma_start3A_36 : memref<20000x64xf32, #tpu.memory_space<hbm>>) target(%arg14 : memref<400x64xf32, #tpu.memory_space<vmem>>) offsets(%dma_start3A_33 : memref<400xi32, #tpu.memory_space<vmem>>) semaphore(%arg15 : memref<!tpu.dma_semaphore, #tpu.memory_space<semaphore_mem>>)
      %mul3A_37 = arith.constant 2 : i32
      %mul3A_38 = arith.muli %mul3A_37, %scan3A_26 : i32
      %dma_wait3A_39 = arith.constant 0 : i32
      %dma_wait3A_40 = tpu.memref_slice %arg10[%mul3A_38, %dma_wait3A_39] : memref<25x400xi32, #tpu.memory_space<vmem>> -> memref<1x400xi32, #tpu.memory_space<vmem>>
      %dma_wait3A_41 = tpu.memref_squeeze %dma_wait3A_40 : memref<1x400xi32, #tpu.memory_space<vmem>> -> memref<400xi32, #tpu.memory_space<vmem>>
      %dma_wait3A_42 = arith.constant 0 : i32
      %dma_wait3A_43 = arith.constant 0 : i32
      %dma_wait3A_44 = tpu.memref_slice %arg2[%dma_wait3A_42, %dma_wait3A_43] : memref<20000x64xf32, #tpu.memory_space<hbm>> -> memref<20000x64xf32, #tpu.memory_space<hbm>>
      tpu.wait_indirect_dma semaphore(%arg13 : memref<!tpu.dma_semaphore, #tpu.memory_space<semaphore_mem>>) src(%dma_wait3A_44 : memref<20000x64xf32, #tpu.memory_space<hbm>>) dst(%arg12 : memref<400x64xf32, #tpu.memory_space<vmem>>)
      "tpu.region"() ({
        %run_scoped3A_65 = tpu.sem_alloc : memref<!tpu.dma_semaphore, #tpu.memory_space<semaphore_mem>>
        %dma_start3A_66 = arith.constant 0 : i32
        %dma_start3A_67 = tpu.memref_slice %arg11[%mul3A_38, %dma_start3A_66] : memref<25x400xi32, #tpu.memory_space<vmem>> -> memref<1x400xi32, #tpu.memory_space<vmem>>
        %dma_start3A_68 = tpu.memref_squeeze %dma_start3A_67 : memref<1x400xi32, #tpu.memory_space<vmem>> -> memref<400xi32, #tpu.memory_space<vmem>>
        %dma_start3A_69 = arith.constant 0 : i32
        %dma_start3A_70 = arith.constant 0 : i32
        %dma_start3A_71 = tpu.memref_slice %arg16[%dma_start3A_69, %dma_start3A_70] : memref<10240x64xf32, #tpu.memory_space<vmem_shared>> -> memref<10240x64xf32, #tpu.memory_space<vmem_shared>>
        tpu.enqueue_indirect_dma source(%arg12 : memref<400x64xf32, #tpu.memory_space<vmem>>) target(%dma_start3A_71 : memref<10240x64xf32, #tpu.memory_space<vmem_shared>>) offsets(%dma_start3A_68 : memref<400xi32, #tpu.memory_space<vmem>>) semaphore(%run_scoped3A_65 : memref<!tpu.dma_semaphore, #tpu.memory_space<semaphore_mem>>) {add = true}
        %dma_wait3A_72 = arith.constant 0 : i32
        %dma_wait3A_73 = tpu.memref_slice %arg11[%mul3A_38, %dma_wait3A_72] : memref<25x400xi32, #tpu.memory_space<vmem>> -> memref<1x400xi32, #tpu.memory_space<vmem>>
        %dma_wait3A_74 = tpu.memref_squeeze %dma_wait3A_73 : memref<1x400xi32, #tpu.memory_space<vmem>> -> memref<400xi32, #tpu.memory_space<vmem>>
        %dma_wait3A_75 = arith.constant 0 : i32
        %dma_wait3A_76 = arith.constant 0 : i32
        %dma_wait3A_77 = tpu.memref_slice %arg16[%dma_wait3A_75, %dma_wait3A_76] : memref<10240x64xf32, #tpu.memory_space<vmem_shared>> -> memref<10240x64xf32, #tpu.memory_space<vmem_shared>>
        tpu.wait_indirect_dma semaphore(%run_scoped3A_65 : memref<!tpu.dma_semaphore, #tpu.memory_space<semaphore_mem>>) src(%arg12 : memref<400x64xf32, #tpu.memory_space<vmem>>) dst(%dma_wait3A_77 : memref<10240x64xf32, #tpu.memory_space<vmem_shared>>)
        tpu.yield
      }) : () -> ()
      "tpu.region"() ({
        %run_scoped3A_65 = tpu.sem_alloc : memref<!tpu.dma_semaphore, #tpu.memory_space<semaphore_mem>>
        %dma_start3A_66 = arith.constant 0 : i32
        %dma_start3A_67 = tpu.memref_slice %arg11[%mul3A_38, %dma_start3A_66] : memref<25x400xi32, #tpu.memory_space<vmem>> -> memref<1x400xi32, #tpu.memory_space<vmem>>
        %dma_start3A_68 = tpu.memref_squeeze %dma_start3A_67 : memref<1x400xi32, #tpu.memory_space<vmem>> -> memref<400xi32, #tpu.memory_space<vmem>>
        %dma_start3A_69 = arith.constant 0 : i32
        %dma_start3A_70 = arith.constant 0 : i32
        %dma_start3A_71 = tpu.memref_slice %arg18[%dma_start3A_69, %dma_start3A_70] : memref<10240x8xf32, #tpu.memory_space<vmem_shared>> -> memref<10240x8xf32, #tpu.memory_space<vmem_shared>>
        tpu.enqueue_indirect_dma source(%arg17 : memref<400x8xf32, #tpu.memory_space<vmem>>) target(%dma_start3A_71 : memref<10240x8xf32, #tpu.memory_space<vmem_shared>>) offsets(%dma_start3A_68 : memref<400xi32, #tpu.memory_space<vmem>>) semaphore(%run_scoped3A_65 : memref<!tpu.dma_semaphore, #tpu.memory_space<semaphore_mem>>) {add = true}
        %dma_wait3A_72 = arith.constant 0 : i32
        %dma_wait3A_73 = tpu.memref_slice %arg11[%mul3A_38, %dma_wait3A_72] : memref<25x400xi32, #tpu.memory_space<vmem>> -> memref<1x400xi32, #tpu.memory_space<vmem>>
        %dma_wait3A_74 = tpu.memref_squeeze %dma_wait3A_73 : memref<1x400xi32, #tpu.memory_space<vmem>> -> memref<400xi32, #tpu.memory_space<vmem>>
        %dma_wait3A_75 = arith.constant 0 : i32
        %dma_wait3A_76 = arith.constant 0 : i32
        %dma_wait3A_77 = tpu.memref_slice %arg18[%dma_wait3A_75, %dma_wait3A_76] : memref<10240x8xf32, #tpu.memory_space<vmem_shared>> -> memref<10240x8xf32, #tpu.memory_space<vmem_shared>>
        tpu.wait_indirect_dma semaphore(%run_scoped3A_65 : memref<!tpu.dma_semaphore, #tpu.memory_space<semaphore_mem>>) src(%arg17 : memref<400x8xf32, #tpu.memory_space<vmem>>) dst(%dma_wait3A_77 : memref<10240x8xf32, #tpu.memory_space<vmem_shared>>)
        tpu.yield
      }) : () -> ()
      %mul3A_45 = arith.constant 2 : i32
      %mul3A_46 = arith.muli %mul3A_45, %scan3A_26 : i32
      %add3A_47 = arith.constant 2 : i32
      %add3A_48 = arith.addi %mul3A_46, %add3A_47 : i32
      %dma_start3A_49 = arith.constant 0 : i32
      %dma_start3A_50 = tpu.memref_slice %arg10[%add3A_48, %dma_start3A_49] : memref<25x400xi32, #tpu.memory_space<vmem>> -> memref<1x400xi32, #tpu.memory_space<vmem>>
      %dma_start3A_51 = tpu.memref_squeeze %dma_start3A_50 : memref<1x400xi32, #tpu.memory_space<vmem>> -> memref<400xi32, #tpu.memory_space<vmem>>
      %dma_start3A_52 = arith.constant 0 : i32
      %dma_start3A_53 = arith.constant 0 : i32
      %dma_start3A_54 = tpu.memref_slice %arg2[%dma_start3A_52, %dma_start3A_53] : memref<20000x64xf32, #tpu.memory_space<hbm>> -> memref<20000x64xf32, #tpu.memory_space<hbm>>
      tpu.enqueue_indirect_dma source(%dma_start3A_54 : memref<20000x64xf32, #tpu.memory_space<hbm>>) target(%arg12 : memref<400x64xf32, #tpu.memory_space<vmem>>) offsets(%dma_start3A_51 : memref<400xi32, #tpu.memory_space<vmem>>) semaphore(%arg13 : memref<!tpu.dma_semaphore, #tpu.memory_space<semaphore_mem>>)
      %mul3A_55 = arith.constant 2 : i32
      %mul3A_56 = arith.muli %mul3A_55, %scan3A_26 : i32
      %add3A_57 = arith.constant 1 : i32
      %add3A_58 = arith.addi %mul3A_56, %add3A_57 : i32
      %dma_wait3A_59 = arith.constant 0 : i32
      %dma_wait3A_60 = tpu.memref_slice %arg10[%add3A_58, %dma_wait3A_59] : memref<25x400xi32, #tpu.memory_space<vmem>> -> memref<1x400xi32, #tpu.memory_space<vmem>>
      %dma_wait3A_61 = tpu.memref_squeeze %dma_wait3A_60 : memref<1x400xi32, #tpu.memory_space<vmem>> -> memref<400xi32, #tpu.memory_space<vmem>>
      %dma_wait3A_62 = arith.constant 0 : i32
      %dma_wait3A_63 = arith.constant 0 : i32
      %dma_wait3A_64 = tpu.memref_slice %arg2[%dma_wait3A_62, %dma_wait3A_63] : memref<20000x64xf32, #tpu.memory_space<hbm>> -> memref<20000x64xf32, #tpu.memory_space<hbm>>
      tpu.wait_indirect_dma semaphore(%arg15 : memref<!tpu.dma_semaphore, #tpu.memory_space<semaphore_mem>>) src(%dma_wait3A_64 : memref<20000x64xf32, #tpu.memory_space<hbm>>) dst(%arg14 : memref<400x64xf32, #tpu.memory_space<vmem>>)
      "tpu.region"() ({
        %run_scoped3A_65 = tpu.sem_alloc : memref<!tpu.dma_semaphore, #tpu.memory_space<semaphore_mem>>
        %dma_start3A_66 = arith.constant 0 : i32
        %dma_start3A_67 = tpu.memref_slice %arg11[%add3A_58, %dma_start3A_66] : memref<25x400xi32, #tpu.memory_space<vmem>> -> memref<1x400xi32, #tpu.memory_space<vmem>>
        %dma_start3A_68 = tpu.memref_squeeze %dma_start3A_67 : memref<1x400xi32, #tpu.memory_space<vmem>> -> memref<400xi32, #tpu.memory_space<vmem>>
        %dma_start3A_69 = arith.constant 0 : i32
        %dma_start3A_70 = arith.constant 0 : i32
        %dma_start3A_71 = tpu.memref_slice %arg16[%dma_start3A_69, %dma_start3A_70] : memref<10240x64xf32, #tpu.memory_space<vmem_shared>> -> memref<10240x64xf32, #tpu.memory_space<vmem_shared>>
        tpu.enqueue_indirect_dma source(%arg14 : memref<400x64xf32, #tpu.memory_space<vmem>>) target(%dma_start3A_71 : memref<10240x64xf32, #tpu.memory_space<vmem_shared>>) offsets(%dma_start3A_68 : memref<400xi32, #tpu.memory_space<vmem>>) semaphore(%run_scoped3A_65 : memref<!tpu.dma_semaphore, #tpu.memory_space<semaphore_mem>>) {add = true}
        %dma_wait3A_72 = arith.constant 0 : i32
        %dma_wait3A_73 = tpu.memref_slice %arg11[%add3A_58, %dma_wait3A_72] : memref<25x400xi32, #tpu.memory_space<vmem>> -> memref<1x400xi32, #tpu.memory_space<vmem>>
        %dma_wait3A_74 = tpu.memref_squeeze %dma_wait3A_73 : memref<1x400xi32, #tpu.memory_space<vmem>> -> memref<400xi32, #tpu.memory_space<vmem>>
        %dma_wait3A_75 = arith.constant 0 : i32
        %dma_wait3A_76 = arith.constant 0 : i32
        %dma_wait3A_77 = tpu.memref_slice %arg16[%dma_wait3A_75, %dma_wait3A_76] : memref<10240x64xf32, #tpu.memory_space<vmem_shared>> -> memref<10240x64xf32, #tpu.memory_space<vmem_shared>>
        tpu.wait_indirect_dma semaphore(%run_scoped3A_65 : memref<!tpu.dma_semaphore, #tpu.memory_space<semaphore_mem>>) src(%arg14 : memref<400x64xf32, #tpu.memory_space<vmem>>) dst(%dma_wait3A_77 : memref<10240x64xf32, #tpu.memory_space<vmem_shared>>)
        tpu.yield
      }) : () -> ()
      "tpu.region"() ({
        %run_scoped3A_65 = tpu.sem_alloc : memref<!tpu.dma_semaphore, #tpu.memory_space<semaphore_mem>>
        %dma_start3A_66 = arith.constant 0 : i32
        %dma_start3A_67 = tpu.memref_slice %arg11[%add3A_58, %dma_start3A_66] : memref<25x400xi32, #tpu.memory_space<vmem>> -> memref<1x400xi32, #tpu.memory_space<vmem>>
        %dma_start3A_68 = tpu.memref_squeeze %dma_start3A_67 : memref<1x400xi32, #tpu.memory_space<vmem>> -> memref<400xi32, #tpu.memory_space<vmem>>
        %dma_start3A_69 = arith.constant 0 : i32
        %dma_start3A_70 = arith.constant 0 : i32
        %dma_start3A_71 = tpu.memref_slice %arg18[%dma_start3A_69, %dma_start3A_70] : memref<10240x8xf32, #tpu.memory_space<vmem_shared>> -> memref<10240x8xf32, #tpu.memory_space<vmem_shared>>
        tpu.enqueue_indirect_dma source(%arg17 : memref<400x8xf32, #tpu.memory_space<vmem>>) target(%dma_start3A_71 : memref<10240x8xf32, #tpu.memory_space<vmem_shared>>) offsets(%dma_start3A_68 : memref<400xi32, #tpu.memory_space<vmem>>) semaphore(%run_scoped3A_65 : memref<!tpu.dma_semaphore, #tpu.memory_space<semaphore_mem>>) {add = true}
        %dma_wait3A_72 = arith.constant 0 : i32
        %dma_wait3A_73 = tpu.memref_slice %arg11[%add3A_58, %dma_wait3A_72] : memref<25x400xi32, #tpu.memory_space<vmem>> -> memref<1x400xi32, #tpu.memory_space<vmem>>
        %dma_wait3A_74 = tpu.memref_squeeze %dma_wait3A_73 : memref<1x400xi32, #tpu.memory_space<vmem>> -> memref<400xi32, #tpu.memory_space<vmem>>
        %dma_wait3A_75 = arith.constant 0 : i32
        %dma_wait3A_76 = arith.constant 0 : i32
        %dma_wait3A_77 = tpu.memref_slice %arg18[%dma_wait3A_75, %dma_wait3A_76] : memref<10240x8xf32, #tpu.memory_space<vmem_shared>> -> memref<10240x8xf32, #tpu.memory_space<vmem_shared>>
        tpu.wait_indirect_dma semaphore(%run_scoped3A_65 : memref<!tpu.dma_semaphore, #tpu.memory_space<semaphore_mem>>) src(%arg17 : memref<400x8xf32, #tpu.memory_space<vmem>>) dst(%dma_wait3A_77 : memref<10240x8xf32, #tpu.memory_space<vmem_shared>>)
        tpu.yield
      }) : () -> ()
    }
    %scan3A_13 = arith.constant 12 : i32
    %dma_wait3A = arith.constant 24 : i32
    %dma_wait3A_14 = arith.constant 0 : i32
    %dma_wait3A_15 = tpu.memref_slice %arg10[%dma_wait3A, %dma_wait3A_14] : memref<25x400xi32, #tpu.memory_space<vmem>> -> memref<1x400xi32, #tpu.memory_space<vmem>>
    %dma_wait3A_16 = tpu.memref_squeeze %dma_wait3A_15 : memref<1x400xi32, #tpu.memory_space<vmem>> -> memref<400xi32, #tpu.memory_space<vmem>>
    %dma_wait3A_17 = arith.constant 0 : i32
    %dma_wait3A_18 = arith.constant 0 : i32
    %dma_wait3A_19 = tpu.memref_slice %arg2[%dma_wait3A_17, %dma_wait3A_18] : memref<20000x64xf32, #tpu.memory_space<hbm>> -> memref<20000x64xf32, #tpu.memory_space<hbm>>
    tpu.wait_indirect_dma semaphore(%arg13 : memref<!tpu.dma_semaphore, #tpu.memory_space<semaphore_mem>>) src(%dma_wait3A_19 : memref<20000x64xf32, #tpu.memory_space<hbm>>) dst(%arg12 : memref<400x64xf32, #tpu.memory_space<vmem>>)
    %run_scoped3A = arith.constant 24 : i32
    "tpu.region"() ({
      %run_scoped3A_26 = tpu.sem_alloc : memref<!tpu.dma_semaphore, #tpu.memory_space<semaphore_mem>>
      %dma_start3A_27 = arith.constant 0 : i32
      %dma_start3A_28 = tpu.memref_slice %arg11[%run_scoped3A, %dma_start3A_27] : memref<25x400xi32, #tpu.memory_space<vmem>> -> memref<1x400xi32, #tpu.memory_space<vmem>>
      %dma_start3A_29 = tpu.memref_squeeze %dma_start3A_28 : memref<1x400xi32, #tpu.memory_space<vmem>> -> memref<400xi32, #tpu.memory_space<vmem>>
      %dma_start3A_30 = arith.constant 0 : i32
      %dma_start3A_31 = arith.constant 0 : i32
      %dma_start3A_32 = tpu.memref_slice %arg16[%dma_start3A_30, %dma_start3A_31] : memref<10240x64xf32, #tpu.memory_space<vmem_shared>> -> memref<10240x64xf32, #tpu.memory_space<vmem_shared>>
      tpu.enqueue_indirect_dma source(%arg12 : memref<400x64xf32, #tpu.memory_space<vmem>>) target(%dma_start3A_32 : memref<10240x64xf32, #tpu.memory_space<vmem_shared>>) offsets(%dma_start3A_29 : memref<400xi32, #tpu.memory_space<vmem>>) semaphore(%run_scoped3A_26 : memref<!tpu.dma_semaphore, #tpu.memory_space<semaphore_mem>>) {add = true}
      %dma_wait3A_33 = arith.constant 0 : i32
      %dma_wait3A_34 = tpu.memref_slice %arg11[%run_scoped3A, %dma_wait3A_33] : memref<25x400xi32, #tpu.memory_space<vmem>> -> memref<1x400xi32, #tpu.memory_space<vmem>>
      %dma_wait3A_35 = tpu.memref_squeeze %dma_wait3A_34 : memref<1x400xi32, #tpu.memory_space<vmem>> -> memref<400xi32, #tpu.memory_space<vmem>>
      %dma_wait3A_36 = arith.constant 0 : i32
      %dma_wait3A_37 = arith.constant 0 : i32
      %dma_wait3A_38 = tpu.memref_slice %arg16[%dma_wait3A_36, %dma_wait3A_37] : memref<10240x64xf32, #tpu.memory_space<vmem_shared>> -> memref<10240x64xf32, #tpu.memory_space<vmem_shared>>
      tpu.wait_indirect_dma semaphore(%run_scoped3A_26 : memref<!tpu.dma_semaphore, #tpu.memory_space<semaphore_mem>>) src(%arg12 : memref<400x64xf32, #tpu.memory_space<vmem>>) dst(%dma_wait3A_38 : memref<10240x64xf32, #tpu.memory_space<vmem_shared>>)
      tpu.yield
    }) : () -> ()
    %run_scoped3A_20 = arith.constant 24 : i32
    "tpu.region"() ({
      %run_scoped3A_26 = tpu.sem_alloc : memref<!tpu.dma_semaphore, #tpu.memory_space<semaphore_mem>>
      %dma_start3A_27 = arith.constant 0 : i32
      %dma_start3A_28 = tpu.memref_slice %arg11[%run_scoped3A_20, %dma_start3A_27] : memref<25x400xi32, #tpu.memory_space<vmem>> -> memref<1x400xi32, #tpu.memory_space<vmem>>
      %dma_start3A_29 = tpu.memref_squeeze %dma_start3A_28 : memref<1x400xi32, #tpu.memory_space<vmem>> -> memref<400xi32, #tpu.memory_space<vmem>>
      %dma_start3A_30 = arith.constant 0 : i32
      %dma_start3A_31 = arith.constant 0 : i32
      %dma_start3A_32 = tpu.memref_slice %arg18[%dma_start3A_30, %dma_start3A_31] : memref<10240x8xf32, #tpu.memory_space<vmem_shared>> -> memref<10240x8xf32, #tpu.memory_space<vmem_shared>>
      tpu.enqueue_indirect_dma source(%arg17 : memref<400x8xf32, #tpu.memory_space<vmem>>) target(%dma_start3A_32 : memref<10240x8xf32, #tpu.memory_space<vmem_shared>>) offsets(%dma_start3A_29 : memref<400xi32, #tpu.memory_space<vmem>>) semaphore(%run_scoped3A_26 : memref<!tpu.dma_semaphore, #tpu.memory_space<semaphore_mem>>) {add = true}
      %dma_wait3A_33 = arith.constant 0 : i32
      %dma_wait3A_34 = tpu.memref_slice %arg11[%run_scoped3A_20, %dma_wait3A_33] : memref<25x400xi32, #tpu.memory_space<vmem>> -> memref<1x400xi32, #tpu.memory_space<vmem>>
      %dma_wait3A_35 = tpu.memref_squeeze %dma_wait3A_34 : memref<1x400xi32, #tpu.memory_space<vmem>> -> memref<400xi32, #tpu.memory_space<vmem>>
      %dma_wait3A_36 = arith.constant 0 : i32
      %dma_wait3A_37 = arith.constant 0 : i32
      %dma_wait3A_38 = tpu.memref_slice %arg18[%dma_wait3A_36, %dma_wait3A_37] : memref<10240x8xf32, #tpu.memory_space<vmem_shared>> -> memref<10240x8xf32, #tpu.memory_space<vmem_shared>>
      tpu.wait_indirect_dma semaphore(%run_scoped3A_26 : memref<!tpu.dma_semaphore, #tpu.memory_space<semaphore_mem>>) src(%arg17 : memref<400x8xf32, #tpu.memory_space<vmem>>) dst(%dma_wait3A_38 : memref<10240x8xf32, #tpu.memory_space<vmem_shared>>)
      tpu.yield
    }) : () -> ()
    %barrier3A_21 = arith.constant 0 : index
    tpu.barrier barrier_id(%barrier3A_21)
    %mul3A_22 = arith.constant 64 : i32
    %mul3A_23 = arith.muli %arg0, %mul3A_22 : i32
    "tpu.region"() ({
      %run_scoped3A_26 = tpu.sem_alloc : memref<!tpu.dma_semaphore, #tpu.memory_space<semaphore_mem>>
      %dma_start3A_27 = tpu.memref_slice %arg8[%mul3A_2, %mul3A_23] : memref<10240x128xf32, #tpu.memory_space<hbm>> -> memref<640x64xf32, #tpu.memory_space<hbm>>
      %dma_start3A_28 = arith.constant 0 : i32
      %dma_start3A_29 = tpu.memref_slice %arg16[%mul3A_2, %dma_start3A_28] : memref<10240x64xf32, #tpu.memory_space<vmem_shared>> -> memref<640x64xf32, #tpu.memory_space<vmem_shared>>
      tpu.enqueue_dma source(%dma_start3A_29 : memref<640x64xf32, #tpu.memory_space<vmem_shared>>) target(%dma_start3A_27 : memref<640x64xf32, #tpu.memory_space<hbm>>) target_semaphore(%run_scoped3A_26 : memref<!tpu.dma_semaphore, #tpu.memory_space<semaphore_mem>>)
      %dma_wait3A_30 = tpu.memref_slice %arg8[%mul3A_2, %mul3A_23] : memref<10240x128xf32, #tpu.memory_space<hbm>> -> memref<640x64xf32, #tpu.memory_space<hbm>>
      %dma_wait3A_31 = arith.constant 0 : i32
      %dma_wait3A_32 = tpu.memref_slice %arg16[%mul3A_2, %dma_wait3A_31] : memref<10240x64xf32, #tpu.memory_space<vmem_shared>> -> memref<640x64xf32, #tpu.memory_space<vmem_shared>>
      tpu.wait_dma2 semaphore(%run_scoped3A_26 : memref<!tpu.dma_semaphore, #tpu.memory_space<semaphore_mem>>) src(%dma_wait3A_32 : memref<640x64xf32, #tpu.memory_space<vmem_shared>>) dst(%dma_wait3A_30 : memref<640x64xf32, #tpu.memory_space<hbm>>)
      tpu.yield
    }) : () -> ()
    %mul3A_24 = arith.constant 8 : i32
    %mul3A_25 = arith.muli %arg0, %mul3A_24 : i32
    "tpu.region"() ({
      %run_scoped3A_26 = tpu.sem_alloc : memref<!tpu.dma_semaphore, #tpu.memory_space<semaphore_mem>>
      %dma_start3A_27 = tpu.memref_slice %arg9[%mul3A_2, %mul3A_25] : memref<10240x128xf32, #tpu.memory_space<hbm>> -> memref<640x8xf32, #tpu.memory_space<hbm>>
      %dma_start3A_28 = arith.constant 0 : i32
      %dma_start3A_29 = tpu.memref_slice %arg18[%mul3A_2, %dma_start3A_28] : memref<10240x8xf32, #tpu.memory_space<vmem_shared>> -> memref<640x8xf32, #tpu.memory_space<vmem_shared>>
      tpu.enqueue_dma source(%dma_start3A_29 : memref<640x8xf32, #tpu.memory_space<vmem_shared>>) target(%dma_start3A_27 : memref<640x8xf32, #tpu.memory_space<hbm>>) target_semaphore(%run_scoped3A_26 : memref<!tpu.dma_semaphore, #tpu.memory_space<semaphore_mem>>)
      %dma_wait3A_30 = tpu.memref_slice %arg9[%mul3A_2, %mul3A_25] : memref<10240x128xf32, #tpu.memory_space<hbm>> -> memref<640x8xf32, #tpu.memory_space<hbm>>
      %dma_wait3A_31 = arith.constant 0 : i32
      %dma_wait3A_32 = tpu.memref_slice %arg18[%mul3A_2, %dma_wait3A_31] : memref<10240x8xf32, #tpu.memory_space<vmem_shared>> -> memref<640x8xf32, #tpu.memory_space<vmem_shared>>
      tpu.wait_dma2 semaphore(%run_scoped3A_26 : memref<!tpu.dma_semaphore, #tpu.memory_space<semaphore_mem>>) src(%dma_wait3A_32 : memref<640x8xf32, #tpu.memory_space<vmem_shared>>) dst(%dma_wait3A_30 : memref<640x8xf32, #tpu.memory_space<hbm>>)
      tpu.yield
    }) : () -> ()
    return
  }
}

#map = affine_map<(d0, d1) -> (0, 0)>
#map1 = affine_map<(d0, d1) -> (0, 0, 0)>
module attributes {stable_mosaic.version = 14 : i64} {
  func.func @body(%arg0: i32, %arg1: i32, %arg2: memref<20000x64xf32, #tpu.memory_space<hbm>>, %arg3: memref<32x25x400xi32, #tpu.memory_space<hbm>>, %arg4: memref<32x25x400xi32, #tpu.memory_space<hbm>>, %arg5: memref<10240x64xf32, #tpu.memory_space<hbm>>, %arg6: memref<10240x128xf32, #tpu.memory_space<hbm>>, %arg7: memref<25x400xi32, #tpu.memory_space<vmem>>, %arg8: memref<25x400xi32, #tpu.memory_space<vmem>>, %arg9: memref<400x64xf32, #tpu.memory_space<vmem>>, %arg10: memref<!tpu.dma_semaphore, #tpu.memory_space<semaphore_mem>>, %arg11: memref<400x64xf32, #tpu.memory_space<vmem>>, %arg12: memref<!tpu.dma_semaphore, #tpu.memory_space<semaphore_mem>>, %arg13: memref<10240x64xf32, #tpu.memory_space<vmem_shared>>) attributes {dimension_semantics = [#tpu.dimension_semantics<core_parallel>, #tpu.dimension_semantics<subcore_parallel>], iteration_bounds = array<i64: 2, 16>, scalar_prefetch = 0 : i64, scratch_operands = 7 : i64, tpu.core_type = #tpu.core_type<sc_vector_subcore>, window_params = [{transform_indices = #map}, {transform_indices = #map1}, {transform_indices = #map1}, {transform_indices = #map}, {transform_indices = #map}]} {
    %mul3A = arith.constant 16 : i32
    %mul3A_0 = arith.muli %arg0, %mul3A : i32
    %add3A = arith.addi %mul3A_0, %arg1 : i32
    %mul3A_1 = arith.constant 640 : i32
    %mul3A_2 = arith.muli %arg1, %mul3A_1 : i32
    "tpu.region"() ({
      %run_scoped3A_23 = tpu.sem_alloc : memref<!tpu.dma_semaphore, #tpu.memory_space<semaphore_mem>>
      %dma_start3A_24 = arith.constant 0 : i32
      %dma_start3A_25 = arith.constant 0 : i32
      %dma_start3A_26 = tpu.memref_slice %arg3[%add3A, %dma_start3A_24, %dma_start3A_25] : memref<32x25x400xi32, #tpu.memory_space<hbm>> -> memref<1x25x400xi32, #tpu.memory_space<hbm>>
      %dma_start3A_27 = tpu.memref_squeeze %dma_start3A_26 : memref<1x25x400xi32, #tpu.memory_space<hbm>> -> memref<25x400xi32, #tpu.memory_space<hbm>>
      %dma_start3A_28 = arith.constant 0 : i32
      %dma_start3A_29 = arith.constant 0 : i32
      %dma_start3A_30 = tpu.memref_slice %arg3[%add3A, %dma_start3A_28, %dma_start3A_29] : memref<32x25x400xi32, #tpu.memory_space<hbm>> -> memref<1x25x400xi32, #tpu.memory_space<hbm>>
      %dma_start3A_31 = tpu.memref_squeeze %dma_start3A_30 : memref<1x25x400xi32, #tpu.memory_space<hbm>> -> memref<25x400xi32, #tpu.memory_space<hbm>>
      tpu.enqueue_dma source(%dma_start3A_31 : memref<25x400xi32, #tpu.memory_space<hbm>>) target(%arg7 : memref<25x400xi32, #tpu.memory_space<vmem>>) target_semaphore(%run_scoped3A_23 : memref<!tpu.dma_semaphore, #tpu.memory_space<semaphore_mem>>)
      %dma_wait3A_32 = arith.constant 0 : i32
      %dma_wait3A_33 = arith.constant 0 : i32
      %dma_wait3A_34 = tpu.memref_slice %arg3[%add3A, %dma_wait3A_32, %dma_wait3A_33] : memref<32x25x400xi32, #tpu.memory_space<hbm>> -> memref<1x25x400xi32, #tpu.memory_space<hbm>>
      %dma_wait3A_35 = tpu.memref_squeeze %dma_wait3A_34 : memref<1x25x400xi32, #tpu.memory_space<hbm>> -> memref<25x400xi32, #tpu.memory_space<hbm>>
      %dma_wait3A_36 = arith.constant 0 : i32
      %dma_wait3A_37 = arith.constant 0 : i32
      %dma_wait3A_38 = tpu.memref_slice %arg3[%add3A, %dma_wait3A_36, %dma_wait3A_37] : memref<32x25x400xi32, #tpu.memory_space<hbm>> -> memref<1x25x400xi32, #tpu.memory_space<hbm>>
      %dma_wait3A_39 = tpu.memref_squeeze %dma_wait3A_38 : memref<1x25x400xi32, #tpu.memory_space<hbm>> -> memref<25x400xi32, #tpu.memory_space<hbm>>
      tpu.wait_dma2 semaphore(%run_scoped3A_23 : memref<!tpu.dma_semaphore, #tpu.memory_space<semaphore_mem>>) src(%dma_wait3A_39 : memref<25x400xi32, #tpu.memory_space<hbm>>) dst(%arg7 : memref<25x400xi32, #tpu.memory_space<vmem>>)
      tpu.yield
    }) : () -> ()
    "tpu.region"() ({
      %run_scoped3A_23 = tpu.sem_alloc : memref<!tpu.dma_semaphore, #tpu.memory_space<semaphore_mem>>
      %dma_start3A_24 = arith.constant 0 : i32
      %dma_start3A_25 = arith.constant 0 : i32
      %dma_start3A_26 = tpu.memref_slice %arg4[%add3A, %dma_start3A_24, %dma_start3A_25] : memref<32x25x400xi32, #tpu.memory_space<hbm>> -> memref<1x25x400xi32, #tpu.memory_space<hbm>>
      %dma_start3A_27 = tpu.memref_squeeze %dma_start3A_26 : memref<1x25x400xi32, #tpu.memory_space<hbm>> -> memref<25x400xi32, #tpu.memory_space<hbm>>
      %dma_start3A_28 = arith.constant 0 : i32
      %dma_start3A_29 = arith.constant 0 : i32
      %dma_start3A_30 = tpu.memref_slice %arg4[%add3A, %dma_start3A_28, %dma_start3A_29] : memref<32x25x400xi32, #tpu.memory_space<hbm>> -> memref<1x25x400xi32, #tpu.memory_space<hbm>>
      %dma_start3A_31 = tpu.memref_squeeze %dma_start3A_30 : memref<1x25x400xi32, #tpu.memory_space<hbm>> -> memref<25x400xi32, #tpu.memory_space<hbm>>
      tpu.enqueue_dma source(%dma_start3A_31 : memref<25x400xi32, #tpu.memory_space<hbm>>) target(%arg8 : memref<25x400xi32, #tpu.memory_space<vmem>>) target_semaphore(%run_scoped3A_23 : memref<!tpu.dma_semaphore, #tpu.memory_space<semaphore_mem>>)
      %dma_wait3A_32 = arith.constant 0 : i32
      %dma_wait3A_33 = arith.constant 0 : i32
      %dma_wait3A_34 = tpu.memref_slice %arg4[%add3A, %dma_wait3A_32, %dma_wait3A_33] : memref<32x25x400xi32, #tpu.memory_space<hbm>> -> memref<1x25x400xi32, #tpu.memory_space<hbm>>
      %dma_wait3A_35 = tpu.memref_squeeze %dma_wait3A_34 : memref<1x25x400xi32, #tpu.memory_space<hbm>> -> memref<25x400xi32, #tpu.memory_space<hbm>>
      %dma_wait3A_36 = arith.constant 0 : i32
      %dma_wait3A_37 = arith.constant 0 : i32
      %dma_wait3A_38 = tpu.memref_slice %arg4[%add3A, %dma_wait3A_36, %dma_wait3A_37] : memref<32x25x400xi32, #tpu.memory_space<hbm>> -> memref<1x25x400xi32, #tpu.memory_space<hbm>>
      %dma_wait3A_39 = tpu.memref_squeeze %dma_wait3A_38 : memref<1x25x400xi32, #tpu.memory_space<hbm>> -> memref<25x400xi32, #tpu.memory_space<hbm>>
      tpu.wait_dma2 semaphore(%run_scoped3A_23 : memref<!tpu.dma_semaphore, #tpu.memory_space<semaphore_mem>>) src(%dma_wait3A_39 : memref<25x400xi32, #tpu.memory_space<hbm>>) dst(%arg8 : memref<25x400xi32, #tpu.memory_space<vmem>>)
      tpu.yield
    }) : () -> ()
    "tpu.region"() ({
      %run_scoped3A_23 = tpu.sem_alloc : memref<!tpu.dma_semaphore, #tpu.memory_space<semaphore_mem>>
      %dma_start3A_24 = arith.constant 0 : i32
      %dma_start3A_25 = tpu.memref_slice %arg13[%mul3A_2, %dma_start3A_24] : memref<10240x64xf32, #tpu.memory_space<vmem_shared>> -> memref<640x64xf32, #tpu.memory_space<vmem_shared>>
      %dma_start3A_26 = arith.constant 0 : i32
      %dma_start3A_27 = tpu.memref_slice %arg5[%mul3A_2, %dma_start3A_26] : memref<10240x64xf32, #tpu.memory_space<hbm>> -> memref<640x64xf32, #tpu.memory_space<hbm>>
      tpu.enqueue_dma source(%dma_start3A_27 : memref<640x64xf32, #tpu.memory_space<hbm>>) target(%dma_start3A_25 : memref<640x64xf32, #tpu.memory_space<vmem_shared>>) target_semaphore(%run_scoped3A_23 : memref<!tpu.dma_semaphore, #tpu.memory_space<semaphore_mem>>)
      %dma_wait3A_28 = arith.constant 0 : i32
      %dma_wait3A_29 = tpu.memref_slice %arg13[%mul3A_2, %dma_wait3A_28] : memref<10240x64xf32, #tpu.memory_space<vmem_shared>> -> memref<640x64xf32, #tpu.memory_space<vmem_shared>>
      %dma_wait3A_30 = arith.constant 0 : i32
      %dma_wait3A_31 = tpu.memref_slice %arg5[%mul3A_2, %dma_wait3A_30] : memref<10240x64xf32, #tpu.memory_space<hbm>> -> memref<640x64xf32, #tpu.memory_space<hbm>>
      tpu.wait_dma2 semaphore(%run_scoped3A_23 : memref<!tpu.dma_semaphore, #tpu.memory_space<semaphore_mem>>) src(%dma_wait3A_31 : memref<640x64xf32, #tpu.memory_space<hbm>>) dst(%dma_wait3A_29 : memref<640x64xf32, #tpu.memory_space<vmem_shared>>)
      tpu.yield
    }) : () -> ()
    %barrier3A = arith.constant 0 : index
    tpu.barrier barrier_id(%barrier3A)
    %dma_start3A = arith.constant 0 : i32
    %dma_start3A_3 = arith.constant 0 : i32
    %dma_start3A_4 = tpu.memref_slice %arg7[%dma_start3A, %dma_start3A_3] : memref<25x400xi32, #tpu.memory_space<vmem>> -> memref<1x400xi32, #tpu.memory_space<vmem>>
    %dma_start3A_5 = tpu.memref_squeeze %dma_start3A_4 : memref<1x400xi32, #tpu.memory_space<vmem>> -> memref<400xi32, #tpu.memory_space<vmem>>
    %dma_start3A_6 = arith.constant 0 : i32
    %dma_start3A_7 = arith.constant 0 : i32
    %dma_start3A_8 = tpu.memref_slice %arg2[%dma_start3A_6, %dma_start3A_7] : memref<20000x64xf32, #tpu.memory_space<hbm>> -> memref<20000x64xf32, #tpu.memory_space<hbm>>
    tpu.enqueue_indirect_dma source(%dma_start3A_8 : memref<20000x64xf32, #tpu.memory_space<hbm>>) target(%arg9 : memref<400x64xf32, #tpu.memory_space<vmem>>) offsets(%dma_start3A_5 : memref<400xi32, #tpu.memory_space<vmem>>) semaphore(%arg10 : memref<!tpu.dma_semaphore, #tpu.memory_space<semaphore_mem>>)
    %scan3A = arith.constant 0 : i32
    %scan3A_9 = arith.constant 0 : i32
    %scan3A_10 = arith.constant 12 : i32
    %scan3A_11 = arith.addi %scan3A_9, %scan3A_10 : i32
    %scan3A_12 = arith.constant 1 : i32
    scf.for %scan3A_23 = %scan3A_9 to %scan3A_11 step %scan3A_12  : i32 {
      %mul3A_24 = arith.constant 2 : i32
      %mul3A_25 = arith.muli %mul3A_24, %scan3A_23 : i32
      %add3A_26 = arith.constant 1 : i32
      %add3A_27 = arith.addi %mul3A_25, %add3A_26 : i32
      %dma_start3A_28 = arith.constant 0 : i32
      %dma_start3A_29 = tpu.memref_slice %arg7[%add3A_27, %dma_start3A_28] : memref<25x400xi32, #tpu.memory_space<vmem>> -> memref<1x400xi32, #tpu.memory_space<vmem>>
      %dma_start3A_30 = tpu.memref_squeeze %dma_start3A_29 : memref<1x400xi32, #tpu.memory_space<vmem>> -> memref<400xi32, #tpu.memory_space<vmem>>
      %dma_start3A_31 = arith.constant 0 : i32
      %dma_start3A_32 = arith.constant 0 : i32
      %dma_start3A_33 = tpu.memref_slice %arg2[%dma_start3A_31, %dma_start3A_32] : memref<20000x64xf32, #tpu.memory_space<hbm>> -> memref<20000x64xf32, #tpu.memory_space<hbm>>
      tpu.enqueue_indirect_dma source(%dma_start3A_33 : memref<20000x64xf32, #tpu.memory_space<hbm>>) target(%arg11 : memref<400x64xf32, #tpu.memory_space<vmem>>) offsets(%dma_start3A_30 : memref<400xi32, #tpu.memory_space<vmem>>) semaphore(%arg12 : memref<!tpu.dma_semaphore, #tpu.memory_space<semaphore_mem>>)
      %mul3A_34 = arith.constant 2 : i32
      %mul3A_35 = arith.muli %mul3A_34, %scan3A_23 : i32
      %dma_wait3A_36 = arith.constant 0 : i32
      %dma_wait3A_37 = tpu.memref_slice %arg7[%mul3A_35, %dma_wait3A_36] : memref<25x400xi32, #tpu.memory_space<vmem>> -> memref<1x400xi32, #tpu.memory_space<vmem>>
      %dma_wait3A_38 = tpu.memref_squeeze %dma_wait3A_37 : memref<1x400xi32, #tpu.memory_space<vmem>> -> memref<400xi32, #tpu.memory_space<vmem>>
      %dma_wait3A_39 = arith.constant 0 : i32
      %dma_wait3A_40 = arith.constant 0 : i32
      %dma_wait3A_41 = tpu.memref_slice %arg2[%dma_wait3A_39, %dma_wait3A_40] : memref<20000x64xf32, #tpu.memory_space<hbm>> -> memref<20000x64xf32, #tpu.memory_space<hbm>>
      tpu.wait_indirect_dma semaphore(%arg10 : memref<!tpu.dma_semaphore, #tpu.memory_space<semaphore_mem>>) src(%dma_wait3A_41 : memref<20000x64xf32, #tpu.memory_space<hbm>>) dst(%arg9 : memref<400x64xf32, #tpu.memory_space<vmem>>)
      "tpu.region"() ({
        %run_scoped3A_62 = tpu.sem_alloc : memref<!tpu.dma_semaphore, #tpu.memory_space<semaphore_mem>>
        %dma_start3A_63 = arith.constant 0 : i32
        %dma_start3A_64 = tpu.memref_slice %arg8[%mul3A_35, %dma_start3A_63] : memref<25x400xi32, #tpu.memory_space<vmem>> -> memref<1x400xi32, #tpu.memory_space<vmem>>
        %dma_start3A_65 = tpu.memref_squeeze %dma_start3A_64 : memref<1x400xi32, #tpu.memory_space<vmem>> -> memref<400xi32, #tpu.memory_space<vmem>>
        %dma_start3A_66 = arith.constant 0 : i32
        %dma_start3A_67 = arith.constant 0 : i32
        %dma_start3A_68 = tpu.memref_slice %arg13[%dma_start3A_66, %dma_start3A_67] : memref<10240x64xf32, #tpu.memory_space<vmem_shared>> -> memref<10240x64xf32, #tpu.memory_space<vmem_shared>>
        tpu.enqueue_indirect_dma source(%arg9 : memref<400x64xf32, #tpu.memory_space<vmem>>) target(%dma_start3A_68 : memref<10240x64xf32, #tpu.memory_space<vmem_shared>>) offsets(%dma_start3A_65 : memref<400xi32, #tpu.memory_space<vmem>>) semaphore(%run_scoped3A_62 : memref<!tpu.dma_semaphore, #tpu.memory_space<semaphore_mem>>) {add = true}
        %dma_wait3A_69 = arith.constant 0 : i32
        %dma_wait3A_70 = tpu.memref_slice %arg8[%mul3A_35, %dma_wait3A_69] : memref<25x400xi32, #tpu.memory_space<vmem>> -> memref<1x400xi32, #tpu.memory_space<vmem>>
        %dma_wait3A_71 = tpu.memref_squeeze %dma_wait3A_70 : memref<1x400xi32, #tpu.memory_space<vmem>> -> memref<400xi32, #tpu.memory_space<vmem>>
        %dma_wait3A_72 = arith.constant 0 : i32
        %dma_wait3A_73 = arith.constant 0 : i32
        %dma_wait3A_74 = tpu.memref_slice %arg13[%dma_wait3A_72, %dma_wait3A_73] : memref<10240x64xf32, #tpu.memory_space<vmem_shared>> -> memref<10240x64xf32, #tpu.memory_space<vmem_shared>>
        tpu.wait_indirect_dma semaphore(%run_scoped3A_62 : memref<!tpu.dma_semaphore, #tpu.memory_space<semaphore_mem>>) src(%arg9 : memref<400x64xf32, #tpu.memory_space<vmem>>) dst(%dma_wait3A_74 : memref<10240x64xf32, #tpu.memory_space<vmem_shared>>)
        tpu.yield
      }) : () -> ()
      %mul3A_42 = arith.constant 2 : i32
      %mul3A_43 = arith.muli %mul3A_42, %scan3A_23 : i32
      %add3A_44 = arith.constant 2 : i32
      %add3A_45 = arith.addi %mul3A_43, %add3A_44 : i32
      %dma_start3A_46 = arith.constant 0 : i32
      %dma_start3A_47 = tpu.memref_slice %arg7[%add3A_45, %dma_start3A_46] : memref<25x400xi32, #tpu.memory_space<vmem>> -> memref<1x400xi32, #tpu.memory_space<vmem>>
      %dma_start3A_48 = tpu.memref_squeeze %dma_start3A_47 : memref<1x400xi32, #tpu.memory_space<vmem>> -> memref<400xi32, #tpu.memory_space<vmem>>
      %dma_start3A_49 = arith.constant 0 : i32
      %dma_start3A_50 = arith.constant 0 : i32
      %dma_start3A_51 = tpu.memref_slice %arg2[%dma_start3A_49, %dma_start3A_50] : memref<20000x64xf32, #tpu.memory_space<hbm>> -> memref<20000x64xf32, #tpu.memory_space<hbm>>
      tpu.enqueue_indirect_dma source(%dma_start3A_51 : memref<20000x64xf32, #tpu.memory_space<hbm>>) target(%arg9 : memref<400x64xf32, #tpu.memory_space<vmem>>) offsets(%dma_start3A_48 : memref<400xi32, #tpu.memory_space<vmem>>) semaphore(%arg10 : memref<!tpu.dma_semaphore, #tpu.memory_space<semaphore_mem>>)
      %mul3A_52 = arith.constant 2 : i32
      %mul3A_53 = arith.muli %mul3A_52, %scan3A_23 : i32
      %add3A_54 = arith.constant 1 : i32
      %add3A_55 = arith.addi %mul3A_53, %add3A_54 : i32
      %dma_wait3A_56 = arith.constant 0 : i32
      %dma_wait3A_57 = tpu.memref_slice %arg7[%add3A_55, %dma_wait3A_56] : memref<25x400xi32, #tpu.memory_space<vmem>> -> memref<1x400xi32, #tpu.memory_space<vmem>>
      %dma_wait3A_58 = tpu.memref_squeeze %dma_wait3A_57 : memref<1x400xi32, #tpu.memory_space<vmem>> -> memref<400xi32, #tpu.memory_space<vmem>>
      %dma_wait3A_59 = arith.constant 0 : i32
      %dma_wait3A_60 = arith.constant 0 : i32
      %dma_wait3A_61 = tpu.memref_slice %arg2[%dma_wait3A_59, %dma_wait3A_60] : memref<20000x64xf32, #tpu.memory_space<hbm>> -> memref<20000x64xf32, #tpu.memory_space<hbm>>
      tpu.wait_indirect_dma semaphore(%arg12 : memref<!tpu.dma_semaphore, #tpu.memory_space<semaphore_mem>>) src(%dma_wait3A_61 : memref<20000x64xf32, #tpu.memory_space<hbm>>) dst(%arg11 : memref<400x64xf32, #tpu.memory_space<vmem>>)
      "tpu.region"() ({
        %run_scoped3A_62 = tpu.sem_alloc : memref<!tpu.dma_semaphore, #tpu.memory_space<semaphore_mem>>
        %dma_start3A_63 = arith.constant 0 : i32
        %dma_start3A_64 = tpu.memref_slice %arg8[%add3A_55, %dma_start3A_63] : memref<25x400xi32, #tpu.memory_space<vmem>> -> memref<1x400xi32, #tpu.memory_space<vmem>>
        %dma_start3A_65 = tpu.memref_squeeze %dma_start3A_64 : memref<1x400xi32, #tpu.memory_space<vmem>> -> memref<400xi32, #tpu.memory_space<vmem>>
        %dma_start3A_66 = arith.constant 0 : i32
        %dma_start3A_67 = arith.constant 0 : i32
        %dma_start3A_68 = tpu.memref_slice %arg13[%dma_start3A_66, %dma_start3A_67] : memref<10240x64xf32, #tpu.memory_space<vmem_shared>> -> memref<10240x64xf32, #tpu.memory_space<vmem_shared>>
        tpu.enqueue_indirect_dma source(%arg11 : memref<400x64xf32, #tpu.memory_space<vmem>>) target(%dma_start3A_68 : memref<10240x64xf32, #tpu.memory_space<vmem_shared>>) offsets(%dma_start3A_65 : memref<400xi32, #tpu.memory_space<vmem>>) semaphore(%run_scoped3A_62 : memref<!tpu.dma_semaphore, #tpu.memory_space<semaphore_mem>>) {add = true}
        %dma_wait3A_69 = arith.constant 0 : i32
        %dma_wait3A_70 = tpu.memref_slice %arg8[%add3A_55, %dma_wait3A_69] : memref<25x400xi32, #tpu.memory_space<vmem>> -> memref<1x400xi32, #tpu.memory_space<vmem>>
        %dma_wait3A_71 = tpu.memref_squeeze %dma_wait3A_70 : memref<1x400xi32, #tpu.memory_space<vmem>> -> memref<400xi32, #tpu.memory_space<vmem>>
        %dma_wait3A_72 = arith.constant 0 : i32
        %dma_wait3A_73 = arith.constant 0 : i32
        %dma_wait3A_74 = tpu.memref_slice %arg13[%dma_wait3A_72, %dma_wait3A_73] : memref<10240x64xf32, #tpu.memory_space<vmem_shared>> -> memref<10240x64xf32, #tpu.memory_space<vmem_shared>>
        tpu.wait_indirect_dma semaphore(%run_scoped3A_62 : memref<!tpu.dma_semaphore, #tpu.memory_space<semaphore_mem>>) src(%arg11 : memref<400x64xf32, #tpu.memory_space<vmem>>) dst(%dma_wait3A_74 : memref<10240x64xf32, #tpu.memory_space<vmem_shared>>)
        tpu.yield
      }) : () -> ()
    }
    %scan3A_13 = arith.constant 12 : i32
    %dma_wait3A = arith.constant 24 : i32
    %dma_wait3A_14 = arith.constant 0 : i32
    %dma_wait3A_15 = tpu.memref_slice %arg7[%dma_wait3A, %dma_wait3A_14] : memref<25x400xi32, #tpu.memory_space<vmem>> -> memref<1x400xi32, #tpu.memory_space<vmem>>
    %dma_wait3A_16 = tpu.memref_squeeze %dma_wait3A_15 : memref<1x400xi32, #tpu.memory_space<vmem>> -> memref<400xi32, #tpu.memory_space<vmem>>
    %dma_wait3A_17 = arith.constant 0 : i32
    %dma_wait3A_18 = arith.constant 0 : i32
    %dma_wait3A_19 = tpu.memref_slice %arg2[%dma_wait3A_17, %dma_wait3A_18] : memref<20000x64xf32, #tpu.memory_space<hbm>> -> memref<20000x64xf32, #tpu.memory_space<hbm>>
    tpu.wait_indirect_dma semaphore(%arg10 : memref<!tpu.dma_semaphore, #tpu.memory_space<semaphore_mem>>) src(%dma_wait3A_19 : memref<20000x64xf32, #tpu.memory_space<hbm>>) dst(%arg9 : memref<400x64xf32, #tpu.memory_space<vmem>>)
    %run_scoped3A = arith.constant 24 : i32
    "tpu.region"() ({
      %run_scoped3A_23 = tpu.sem_alloc : memref<!tpu.dma_semaphore, #tpu.memory_space<semaphore_mem>>
      %dma_start3A_24 = arith.constant 0 : i32
      %dma_start3A_25 = tpu.memref_slice %arg8[%run_scoped3A, %dma_start3A_24] : memref<25x400xi32, #tpu.memory_space<vmem>> -> memref<1x400xi32, #tpu.memory_space<vmem>>
      %dma_start3A_26 = tpu.memref_squeeze %dma_start3A_25 : memref<1x400xi32, #tpu.memory_space<vmem>> -> memref<400xi32, #tpu.memory_space<vmem>>
      %dma_start3A_27 = arith.constant 0 : i32
      %dma_start3A_28 = arith.constant 0 : i32
      %dma_start3A_29 = tpu.memref_slice %arg13[%dma_start3A_27, %dma_start3A_28] : memref<10240x64xf32, #tpu.memory_space<vmem_shared>> -> memref<10240x64xf32, #tpu.memory_space<vmem_shared>>
      tpu.enqueue_indirect_dma source(%arg9 : memref<400x64xf32, #tpu.memory_space<vmem>>) target(%dma_start3A_29 : memref<10240x64xf32, #tpu.memory_space<vmem_shared>>) offsets(%dma_start3A_26 : memref<400xi32, #tpu.memory_space<vmem>>) semaphore(%run_scoped3A_23 : memref<!tpu.dma_semaphore, #tpu.memory_space<semaphore_mem>>) {add = true}
      %dma_wait3A_30 = arith.constant 0 : i32
      %dma_wait3A_31 = tpu.memref_slice %arg8[%run_scoped3A, %dma_wait3A_30] : memref<25x400xi32, #tpu.memory_space<vmem>> -> memref<1x400xi32, #tpu.memory_space<vmem>>
      %dma_wait3A_32 = tpu.memref_squeeze %dma_wait3A_31 : memref<1x400xi32, #tpu.memory_space<vmem>> -> memref<400xi32, #tpu.memory_space<vmem>>
      %dma_wait3A_33 = arith.constant 0 : i32
      %dma_wait3A_34 = arith.constant 0 : i32
      %dma_wait3A_35 = tpu.memref_slice %arg13[%dma_wait3A_33, %dma_wait3A_34] : memref<10240x64xf32, #tpu.memory_space<vmem_shared>> -> memref<10240x64xf32, #tpu.memory_space<vmem_shared>>
      tpu.wait_indirect_dma semaphore(%run_scoped3A_23 : memref<!tpu.dma_semaphore, #tpu.memory_space<semaphore_mem>>) src(%arg9 : memref<400x64xf32, #tpu.memory_space<vmem>>) dst(%dma_wait3A_35 : memref<10240x64xf32, #tpu.memory_space<vmem_shared>>)
      tpu.yield
    }) : () -> ()
    %barrier3A_20 = arith.constant 0 : index
    tpu.barrier barrier_id(%barrier3A_20)
    %mul3A_21 = arith.constant 64 : i32
    %mul3A_22 = arith.muli %arg0, %mul3A_21 : i32
    "tpu.region"() ({
      %run_scoped3A_23 = tpu.sem_alloc : memref<!tpu.dma_semaphore, #tpu.memory_space<semaphore_mem>>
      %dma_start3A_24 = tpu.memref_slice %arg6[%mul3A_2, %mul3A_22] : memref<10240x128xf32, #tpu.memory_space<hbm>> -> memref<640x64xf32, #tpu.memory_space<hbm>>
      %dma_start3A_25 = arith.constant 0 : i32
      %dma_start3A_26 = tpu.memref_slice %arg13[%mul3A_2, %dma_start3A_25] : memref<10240x64xf32, #tpu.memory_space<vmem_shared>> -> memref<640x64xf32, #tpu.memory_space<vmem_shared>>
      tpu.enqueue_dma source(%dma_start3A_26 : memref<640x64xf32, #tpu.memory_space<vmem_shared>>) target(%dma_start3A_24 : memref<640x64xf32, #tpu.memory_space<hbm>>) target_semaphore(%run_scoped3A_23 : memref<!tpu.dma_semaphore, #tpu.memory_space<semaphore_mem>>)
      %dma_wait3A_27 = tpu.memref_slice %arg6[%mul3A_2, %mul3A_22] : memref<10240x128xf32, #tpu.memory_space<hbm>> -> memref<640x64xf32, #tpu.memory_space<hbm>>
      %dma_wait3A_28 = arith.constant 0 : i32
      %dma_wait3A_29 = tpu.memref_slice %arg13[%mul3A_2, %dma_wait3A_28] : memref<10240x64xf32, #tpu.memory_space<vmem_shared>> -> memref<640x64xf32, #tpu.memory_space<vmem_shared>>
      tpu.wait_dma2 semaphore(%run_scoped3A_23 : memref<!tpu.dma_semaphore, #tpu.memory_space<semaphore_mem>>) src(%dma_wait3A_29 : memref<640x64xf32, #tpu.memory_space<vmem_shared>>) dst(%dma_wait3A_27 : memref<640x64xf32, #tpu.memory_space<hbm>>)
      tpu.yield
    }) : () -> ()
    return
  }
}

module attributes {stable_mosaic.version = 14 : i64} {
  func.func @_mm_body(%arg0: i32, %arg1: memref<2000x128xf32, #tpu.memory_space<vmem>>, %arg2: memref<2000x8xf32, #tpu.memory_space<vmem>>, %arg3: memref<128x128xf32, #tpu.memory_space<vmem>>, %arg4: memref<8x128xf32, #tpu.memory_space<vmem>>, %arg5: memref<1x128xf32, #tpu.memory_space<vmem>>, %arg6: memref<2000x128xf32, #tpu.memory_space<vmem>>) attributes {dimension_semantics = [#tpu.dimension_semantics<arbitrary>], iteration_bounds = array<i64: 5>, scalar_prefetch = 0 : i64, scratch_operands = 0 : i64, tpu.core_type = #tpu.core_type<tc>, window_params = [{transform_indices = @transform_0, window_bounds = array<i64: 2000, 128>}, {transform_indices = @transform_1, window_bounds = array<i64: 2000, 8>}, {pipeline_mode = #tpu.pipeline_mode<synchronous>, transform_indices = @transform_2, window_bounds = array<i64: 128, 128>}, {pipeline_mode = #tpu.pipeline_mode<synchronous>, transform_indices = @transform_3, window_bounds = array<i64: 8, 128>}, {pipeline_mode = #tpu.pipeline_mode<synchronous>, transform_indices = @transform_4, window_bounds = array<i64: 1, 128>}, {transform_indices = @transform_5, window_bounds = array<i64: 2000, 128>}]} {
    %get3A = arith.constant 0 : index
    %get3A_0 = arith.constant 0 : index
    %get3A_1 = vector.load %arg1[%get3A, %get3A_0] : memref<2000x128xf32, #tpu.memory_space<vmem>>, vector<2000x128xf32>
    %get3A_2 = arith.constant 0 : index
    %get3A_3 = arith.constant 0 : index
    %get3A_4 = vector.load %arg3[%get3A_2, %get3A_3] : memref<128x128xf32, #tpu.memory_space<vmem>>, vector<128x128xf32>
    %dot_general3A = arith.constant dense<0.000000e+00> : vector<2000x128xf32>
    %dot_general3A_5 = tpu.matmul %get3A_1, %get3A_4, %dot_general3A {dimension_numbers = #tpu.dot_dimension_numbers<[1], [0], [0], [1], [0, 0, 1, 1], [], []>, transpose_lhs_hint = false} : vector<2000x128xf32>, vector<128x128xf32>, vector<2000x128xf32> -> vector<2000x128xf32>
    %get3A_6 = arith.constant 0 : index
    %get3A_7 = arith.constant 0 : index
    %get3A_8 = vector.load %arg2[%get3A_6, %get3A_7] : memref<2000x8xf32, #tpu.memory_space<vmem>>, vector<2000x8xf32>
    %get3A_9 = arith.constant 0 : index
    %get3A_10 = arith.constant 0 : index
    %get3A_11 = vector.load %arg4[%get3A_9, %get3A_10] : memref<8x128xf32, #tpu.memory_space<vmem>>, vector<8x128xf32>
    %dot_general3A_12 = arith.constant dense<0.000000e+00> : vector<2000x128xf32>
    %dot_general3A_13 = tpu.matmul %get3A_8, %get3A_11, %dot_general3A_12 {dimension_numbers = #tpu.dot_dimension_numbers<[1], [0], [0], [1], [0, 0, 1, 1], [], []>, transpose_lhs_hint = false} : vector<2000x8xf32>, vector<8x128xf32>, vector<2000x128xf32> -> vector<2000x128xf32>
    %add3A = arith.addf %dot_general3A_5, %dot_general3A_13 : vector<2000x128xf32>
    %get3A_14 = arith.constant 0 : index
    %get3A_15 = arith.constant 0 : index
    %get3A_16 = vector.load %arg5[%get3A_14, %get3A_15] : memref<1x128xf32, #tpu.memory_space<vmem>>, vector<1x128xf32>
    %add3A_17 = vector.broadcast %get3A_16 : vector<1x128xf32> to vector<2000x128xf32>
    %add3A_18 = arith.addf %add3A, %add3A_17 : vector<2000x128xf32>
    %swap3A = arith.constant 0 : index
    %swap3A_19 = arith.constant 0 : index
    %swap3A_20 = vector.load %arg6[%swap3A, %swap3A_19] : memref<2000x128xf32, #tpu.memory_space<vmem>>, vector<2000x128xf32>
    tpu.vector_store %arg6[%swap3A, %swap3A_19], %add3A_18 {strides = array<i32>} : memref<2000x128xf32, #tpu.memory_space<vmem>>, vector<2000x128xf32>,
    return
  }
  func.func @transform_0(%arg0: i32) -> (i32, i32) {
    %c0_i32 = arith.constant 0 : i32
    %c0_i32_0 = arith.constant 0 : i32
    return %arg0, %c0_i32 : i32, i32
  }
  func.func @transform_1(%arg0: i32) -> (i32, i32) {
    %c0_i32 = arith.constant 0 : i32
    %c0_i32_0 = arith.constant 0 : i32
    return %arg0, %c0_i32 : i32, i32
  }
  func.func @transform_2(%arg0: i32) -> (i32, i32) {
    %c0_i32 = arith.constant 0 : i32
    %c0_i32_0 = arith.constant 0 : i32
    %c0_i32_1 = arith.constant 0 : i32
    return %c0_i32, %c0_i32_0 : i32, i32
  }
  func.func @transform_3(%arg0: i32) -> (i32, i32) {
    %c0_i32 = arith.constant 0 : i32
    %c0_i32_0 = arith.constant 0 : i32
    %c0_i32_1 = arith.constant 0 : i32
    return %c0_i32, %c0_i32_0 : i32, i32
  }
  func.func @transform_4(%arg0: i32) -> (i32, i32) {
    %c0_i32 = arith.constant 0 : i32
    %c0_i32_0 = arith.constant 0 : i32
    %c0_i32_1 = arith.constant 0 : i32
    return %c0_i32, %c0_i32_0 : i32, i32
  }
  func.func @transform_5(%arg0: i32) -> (i32, i32) {
    %c0_i32 = arith.constant 0 : i32
    %c0_i32_0 = arith.constant 0 : i32
    return %arg0, %c0_i32 : i32, i32
  }
}

module attributes {stable_mosaic.version = 14 : i64} {
  func.func @_combine_mm_body(%arg0: i32, %arg1: memref<2000x128xf32, #tpu.memory_space<vmem>>, %arg2: memref<2000x128xf32, #tpu.memory_space<vmem>>, %arg3: memref<2000x128xf32, #tpu.memory_space<vmem>>, %arg4: memref<64x128xf32, #tpu.memory_space<vmem>>, %arg5: memref<1x128xf32, #tpu.memory_space<vmem>>, %arg6: memref<2000x128xf32, #tpu.memory_space<vmem>>) attributes {dimension_semantics = [#tpu.dimension_semantics<arbitrary>], iteration_bounds = array<i64: 5>, scalar_prefetch = 0 : i64, scratch_operands = 0 : i64, tpu.core_type = #tpu.core_type<tc>, window_params = [{transform_indices = @transform_0, window_bounds = array<i64: 2000, 128>}, {transform_indices = @transform_1, window_bounds = array<i64: 2000, 128>}, {transform_indices = @transform_2, window_bounds = array<i64: 2000, 128>}, {pipeline_mode = #tpu.pipeline_mode<synchronous>, transform_indices = @transform_3, window_bounds = array<i64: 64, 128>}, {pipeline_mode = #tpu.pipeline_mode<synchronous>, transform_indices = @transform_4, window_bounds = array<i64: 1, 128>}, {transform_indices = @transform_5, window_bounds = array<i64: 2000, 128>}]} {
    %get3A = arith.constant 0 : index
    %get3A_0 = arith.constant 0 : index
    %get3A_1 = vector.load %arg1[%get3A, %get3A_0] : memref<2000x128xf32, #tpu.memory_space<vmem>>, vector<2000x128xf32>
    %get3A_2 = arith.constant 0 : index
    %get3A_3 = arith.constant 0 : index
    %get3A_4 = vector.load %arg2[%get3A_2, %get3A_3] : memref<2000x128xf32, #tpu.memory_space<vmem>>, vector<2000x128xf32>
    %get3A_5 = arith.constant 0 : index
    %get3A_6 = arith.constant 0 : index
    %get3A_7 = vector.load %arg3[%get3A_5, %get3A_6] : memref<2000x128xf32, #tpu.memory_space<vmem>>, vector<2000x128xf32>
    %slice3A = vector.extract_strided_slice %get3A_4 {offsets = [0, 0], sizes = [2000, 1], strides = [1, 1]} : vector<2000x128xf32> to vector<2000x1xf32>
    %slice3A_8 = vector.extract_strided_slice %get3A_4 {offsets = [0, 8], sizes = [2000, 1], strides = [1, 1]} : vector<2000x128xf32> to vector<2000x1xf32>
    %add3A = arith.addf %slice3A, %slice3A_8 : vector<2000x1xf32>
    %slice3A_9 = vector.extract_strided_slice %get3A_1 {offsets = [0, 0], sizes = [2000, 64], strides = [1, 1]} : vector<2000x128xf32> to vector<2000x64xf32>
    %slice3A_10 = vector.extract_strided_slice %get3A_1 {offsets = [0, 64], sizes = [2000, 64], strides = [1, 1]} : vector<2000x128xf32> to vector<2000x64xf32>
    %add3A_11 = arith.addf %slice3A_9, %slice3A_10 : vector<2000x64xf32>
    %max3A = arith.constant 1.000000e+00 : f32
    %max3A_12 = vector.broadcast %max3A : f32 to vector<2000x1xf32>
    %max3A_13 = arith.maximumf %add3A, %max3A_12 : vector<2000x1xf32>
    %div3A = vector.broadcast %max3A_13 : vector<2000x1xf32> to vector<2000x64xf32>
    %div3A_14 = arith.divf %add3A_11, %div3A : vector<2000x64xf32>
    %slice3A_15 = vector.extract_strided_slice %get3A_7 {offsets = [0, 64], sizes = [2000, 64], strides = [1, 1]} : vector<2000x128xf32> to vector<2000x64xf32>
    %add3A_16 = arith.addf %div3A_14, %slice3A_15 : vector<2000x64xf32>
    %max3A_17 = arith.constant 0.000000e+00 : f32
    %max3A_18 = vector.broadcast %max3A_17 : f32 to vector<2000x64xf32>
    %max3A_19 = arith.maximumf %add3A_16, %max3A_18 : vector<2000x64xf32>
    %get3A_20 = arith.constant 0 : index
    %get3A_21 = arith.constant 0 : index
    %get3A_22 = vector.load %arg4[%get3A_20, %get3A_21] : memref<64x128xf32, #tpu.memory_space<vmem>>, vector<64x128xf32>
    %dot_general3A = arith.constant dense<0.000000e+00> : vector<2000x128xf32>
    %dot_general3A_23 = tpu.matmul %max3A_19, %get3A_22, %dot_general3A {dimension_numbers = #tpu.dot_dimension_numbers<[1], [0], [0], [1], [0, 0, 1, 1], [], []>, transpose_lhs_hint = false} : vector<2000x64xf32>, vector<64x128xf32>, vector<2000x128xf32> -> vector<2000x128xf32>
    %get3A_24 = arith.constant 0 : index
    %get3A_25 = arith.constant 0 : index
    %get3A_26 = vector.load %arg5[%get3A_24, %get3A_25] : memref<1x128xf32, #tpu.memory_space<vmem>>, vector<1x128xf32>
    %add3A_27 = vector.broadcast %get3A_26 : vector<1x128xf32> to vector<2000x128xf32>
    %add3A_28 = arith.addf %dot_general3A_23, %add3A_27 : vector<2000x128xf32>
    %swap3A = arith.constant 0 : index
    %swap3A_29 = arith.constant 0 : index
    %swap3A_30 = vector.load %arg6[%swap3A, %swap3A_29] : memref<2000x128xf32, #tpu.memory_space<vmem>>, vector<2000x128xf32>
    tpu.vector_store %arg6[%swap3A, %swap3A_29], %add3A_28 {strides = array<i32>} : memref<2000x128xf32, #tpu.memory_space<vmem>>, vector<2000x128xf32>,
    return
  }
  func.func @transform_0(%arg0: i32) -> (i32, i32) {
    %c0_i32 = arith.constant 0 : i32
    %c0_i32_0 = arith.constant 0 : i32
    return %arg0, %c0_i32 : i32, i32
  }
  func.func @transform_1(%arg0: i32) -> (i32, i32) {
    %c0_i32 = arith.constant 0 : i32
    %c0_i32_0 = arith.constant 0 : i32
    return %arg0, %c0_i32 : i32, i32
  }
  func.func @transform_2(%arg0: i32) -> (i32, i32) {
    %c0_i32 = arith.constant 0 : i32
    %c0_i32_0 = arith.constant 0 : i32
    return %arg0, %c0_i32 : i32, i32
  }
  func.func @transform_3(%arg0: i32) -> (i32, i32) {
    %c0_i32 = arith.constant 0 : i32
    %c0_i32_0 = arith.constant 0 : i32
    %c0_i32_1 = arith.constant 0 : i32
    return %c0_i32, %c0_i32_0 : i32, i32
  }
  func.func @transform_4(%arg0: i32) -> (i32, i32) {
    %c0_i32 = arith.constant 0 : i32
    %c0_i32_0 = arith.constant 0 : i32
    %c0_i32_1 = arith.constant 0 : i32
    return %c0_i32, %c0_i32_0 : i32, i32
  }
  func.func @transform_5(%arg0: i32) -> (i32, i32) {
    %c0_i32 = arith.constant 0 : i32
    %c0_i32_0 = arith.constant 0 : i32
    return %arg0, %c0_i32 : i32, i32
  }
}

module attributes {stable_mosaic.version = 14 : i64} {
  func.func @_pool_body(%arg0: i32, %arg1: memref<2000x128xf32, #tpu.memory_space<vmem>>, %arg2: memref<2000x128xf32, #tpu.memory_space<vmem>>, %arg3: memref<2000x128xf32, #tpu.memory_space<vmem>>, %arg4: memref<1x1x2000xi32, #tpu.memory_space<vmem>>, %arg5: memref<64x1xf32, #tpu.memory_space<vmem>>, %arg6: memref<1x1xf32, #tpu.memory_space<vmem>>, %arg7: memref<128x1xf32, #tpu.memory_space<vmem>>, %arg8: memref<128x64xf32, #tpu.memory_space<vmem>>, %arg9: memref<128x1xf32, #tpu.memory_space<vmem>>) attributes {dimension_semantics = [#tpu.dimension_semantics<arbitrary>], iteration_bounds = array<i64: 5>, scalar_prefetch = 0 : i64, scratch_operands = 2 : i64, tpu.core_type = #tpu.core_type<tc>, window_params = [{transform_indices = @transform_0, window_bounds = array<i64: 2000, 128>}, {transform_indices = @transform_1, window_bounds = array<i64: 2000, 128>}, {transform_indices = @transform_2, window_bounds = array<i64: 2000, 128>}, {transform_indices = @transform_3, window_bounds = array<i64: 1, 1, 2000>}, {pipeline_mode = #tpu.pipeline_mode<synchronous>, transform_indices = @transform_4, window_bounds = array<i64: 64, 1>}, {pipeline_mode = #tpu.pipeline_mode<synchronous>, transform_indices = @transform_5, window_bounds = array<i64: 1, 1>}, {pipeline_mode = #tpu.pipeline_mode<synchronous>, transform_indices = @transform_6, window_bounds = array<i64: 128, 1>}]} {
    %eq3A = arith.constant 0 : i32
    %eq3A_0 = arith.cmpi eq, %arg0, %eq3A : i32
    %convert_element_type3A = arith.extui %eq3A_0 : i1 to i32
    %cond3A = arith.constant 0 : i32
    %cond3A_1 = arith.cmpi ne, %convert_element_type3A, %cond3A : i32
    scf.if %cond3A_1 {
      %broadcast_in_dim3A_50 = arith.constant 0.000000e+00 : f32
      %broadcast_in_dim3A_51 = vector.broadcast %broadcast_in_dim3A_50 : f32 to vector<128x64xf32>
      %swap3A_52 = arith.constant 0 : index
      %swap3A_53 = arith.constant 0 : index
      %swap3A_54 = vector.load %arg8[%swap3A_52, %swap3A_53] : memref<128x64xf32, #tpu.memory_space<vmem>>, vector<128x64xf32>
      tpu.vector_store %arg8[%swap3A_52, %swap3A_53], %broadcast_in_dim3A_51 {strides = array<i32>} : memref<128x64xf32, #tpu.memory_space<vmem>>, vector<128x64xf32>,
      %broadcast_in_dim3A_55 = arith.constant 0.000000e+00 : f32
      %broadcast_in_dim3A_56 = vector.broadcast %broadcast_in_dim3A_55 : f32 to vector<128x1xf32>
      %swap3A_57 = arith.constant 0 : index
      %swap3A_58 = arith.constant 0 : index
      %swap3A_59 = vector.load %arg9[%swap3A_57, %swap3A_58] : memref<128x1xf32, #tpu.memory_space<vmem>>, vector<128x1xf32>
      tpu.vector_store %arg9[%swap3A_57, %swap3A_58], %broadcast_in_dim3A_56 {strides = array<i32>} : memref<128x1xf32, #tpu.memory_space<vmem>>, vector<128x1xf32>,
    } else {
    }
    %get3A = arith.constant 0 : index
    %get3A_2 = arith.constant 0 : index
    %get3A_3 = vector.load %arg1[%get3A, %get3A_2] : memref<2000x128xf32, #tpu.memory_space<vmem>>, vector<2000x128xf32>
    %get3A_4 = arith.constant 0 : index
    %get3A_5 = arith.constant 0 : index
    %get3A_6 = vector.load %arg2[%get3A_4, %get3A_5] : memref<2000x128xf32, #tpu.memory_space<vmem>>, vector<2000x128xf32>
    %get3A_7 = arith.constant 0 : index
    %get3A_8 = arith.constant 0 : index
    %get3A_9 = vector.load %arg3[%get3A_7, %get3A_8] : memref<2000x128xf32, #tpu.memory_space<vmem>>, vector<2000x128xf32>
    %slice3A = vector.extract_strided_slice %get3A_6 {offsets = [0, 0], sizes = [2000, 1], strides = [1, 1]} : vector<2000x128xf32> to vector<2000x1xf32>
    %slice3A_10 = vector.extract_strided_slice %get3A_6 {offsets = [0, 8], sizes = [2000, 1], strides = [1, 1]} : vector<2000x128xf32> to vector<2000x1xf32>
    %add3A = arith.addf %slice3A, %slice3A_10 : vector<2000x1xf32>
    %slice3A_11 = vector.extract_strided_slice %get3A_3 {offsets = [0, 0], sizes = [2000, 64], strides = [1, 1]} : vector<2000x128xf32> to vector<2000x64xf32>
    %slice3A_12 = vector.extract_strided_slice %get3A_3 {offsets = [0, 64], sizes = [2000, 64], strides = [1, 1]} : vector<2000x128xf32> to vector<2000x64xf32>
    %add3A_13 = arith.addf %slice3A_11, %slice3A_12 : vector<2000x64xf32>
    %max3A = arith.constant 1.000000e+00 : f32
    %max3A_14 = vector.broadcast %max3A : f32 to vector<2000x1xf32>
    %max3A_15 = arith.maximumf %add3A, %max3A_14 : vector<2000x1xf32>
    %div3A = vector.broadcast %max3A_15 : vector<2000x1xf32> to vector<2000x64xf32>
    %div3A_16 = arith.divf %add3A_13, %div3A : vector<2000x64xf32>
    %slice3A_17 = vector.extract_strided_slice %get3A_9 {offsets = [0, 64], sizes = [2000, 64], strides = [1, 1]} : vector<2000x128xf32> to vector<2000x64xf32>
    %add3A_18 = arith.addf %div3A_16, %slice3A_17 : vector<2000x64xf32>
    %max3A_19 = arith.constant 0.000000e+00 : f32
    %max3A_20 = vector.broadcast %max3A_19 : f32 to vector<2000x64xf32>
    %max3A_21 = arith.maximumf %add3A_18, %max3A_20 : vector<2000x64xf32>
    %get3A_22 = arith.constant 0 : index
    %get3A_23 = arith.constant 0 : index
    %get3A_24 = arith.constant 0 : index
    %get3A_25 = vector.load %arg4[%get3A_22, %get3A_23, %get3A_24] : memref<1x1x2000xi32, #tpu.memory_space<vmem>>, vector<1x1x2000xi32>
    %reshape3A = vector.shape_cast %get3A_25 : vector<1x1x2000xi32> to vector<1x2000xi32>
    %iota3A = tpu.iota {dimensions = array<i32: 0>} : vector<128x2000xi32>
    %eq3A_26 = vector.broadcast %reshape3A : vector<1x2000xi32> to vector<128x2000xi32>
    %eq3A_27 = arith.cmpi eq, %iota3A, %eq3A_26 : vector<128x2000xi32>
    %convert_element_type3A_28 = arith.extui %eq3A_27 : vector<128x2000xi1> to vector<128x2000xi32>
    %convert_element_type3A_29 = arith.sitofp %convert_element_type3A_28 : vector<128x2000xi32> to vector<128x2000xf32>
    %get3A_30 = arith.constant 0 : index
    %get3A_31 = arith.constant 0 : index
    %get3A_32 = vector.load %arg8[%get3A_30, %get3A_31] : memref<128x64xf32, #tpu.memory_space<vmem>>, vector<128x64xf32>
    %dot_general3A = arith.constant dense<0.000000e+00> : vector<128x64xf32>
    %dot_general3A_33 = tpu.matmul %convert_element_type3A_29, %max3A_21, %dot_general3A {dimension_numbers = #tpu.dot_dimension_numbers<[1], [0], [0], [1], [0, 0, 1, 1], [], []>, transpose_lhs_hint = false} : vector<128x2000xf32>, vector<2000x64xf32>, vector<128x64xf32> -> vector<128x64xf32>
    %add3A_34 = arith.addf %get3A_32, %dot_general3A_33 : vector<128x64xf32>
    %swap3A = arith.constant 0 : index
    %swap3A_35 = arith.constant 0 : index
    %swap3A_36 = vector.load %arg8[%swap3A, %swap3A_35] : memref<128x64xf32, #tpu.memory_space<vmem>>, vector<128x64xf32>
    tpu.vector_store %arg8[%swap3A, %swap3A_35], %add3A_34 {strides = array<i32>} : memref<128x64xf32, #tpu.memory_space<vmem>>, vector<128x64xf32>,
    %get3A_37 = arith.constant 0 : index
    %get3A_38 = arith.constant 0 : index
    %get3A_39 = vector.load %arg9[%get3A_37, %get3A_38] : memref<128x1xf32, #tpu.memory_space<vmem>>, vector<128x1xf32>
    %reduce_sum3A = arith.constant dense<0.000000e+00> : vector<128xf32>
    %reduce_sum3A_40 = vector.multi_reduction <add>, %convert_element_type3A_29, %reduce_sum3A [1] : vector<128x2000xf32> to vector<128xf32>
    %broadcast_in_dim3A = vector.shape_cast %reduce_sum3A_40 : vector<128xf32> to vector<128x1xf32>
    %add3A_41 = arith.addf %get3A_39, %broadcast_in_dim3A : vector<128x1xf32>
    %swap3A_42 = arith.constant 0 : index
    %swap3A_43 = arith.constant 0 : index
    %swap3A_44 = vector.load %arg9[%swap3A_42, %swap3A_43] : memref<128x1xf32, #tpu.memory_space<vmem>>, vector<128x1xf32>
    tpu.vector_store %arg9[%swap3A_42, %swap3A_43], %add3A_41 {strides = array<i32>} : memref<128x1xf32, #tpu.memory_space<vmem>>, vector<128x1xf32>,
    %eq3A_45 = arith.constant 4 : i32
    %eq3A_46 = arith.cmpi eq, %arg0, %eq3A_45 : i32
    %convert_element_type3A_47 = arith.extui %eq3A_46 : i1 to i32
    %cond3A_48 = arith.constant 0 : i32
    %cond3A_49 = arith.cmpi ne, %convert_element_type3A_47, %cond3A_48 : i32
    scf.if %cond3A_49 {
      %get3A_50 = arith.constant 0 : index
      %get3A_51 = arith.constant 0 : index
      %get3A_52 = vector.load %arg8[%get3A_50, %get3A_51] : memref<128x64xf32, #tpu.memory_space<vmem>>, vector<128x64xf32>
      %get3A_53 = arith.constant 0 : index
      %get3A_54 = arith.constant 0 : index
      %get3A_55 = vector.load %arg9[%get3A_53, %get3A_54] : memref<128x1xf32, #tpu.memory_space<vmem>>, vector<128x1xf32>
      %max3A_56 = arith.constant 1.000000e+00 : f32
      %max3A_57 = vector.broadcast %max3A_56 : f32 to vector<128x1xf32>
      %max3A_58 = arith.maximumf %get3A_55, %max3A_57 : vector<128x1xf32>
      %div3A_59 = vector.broadcast %max3A_58 : vector<128x1xf32> to vector<128x64xf32>
      %div3A_60 = arith.divf %get3A_52, %div3A_59 : vector<128x64xf32>
      %get3A_61 = arith.constant 0 : index
      %get3A_62 = arith.constant 0 : index
      %get3A_63 = vector.load %arg5[%get3A_61, %get3A_62] : memref<64x1xf32, #tpu.memory_space<vmem>>, vector<64x1xf32>
      %dot_general3A_64 = arith.constant dense<0.000000e+00> : vector<128x1xf32>
      %dot_general3A_65 = tpu.matmul %div3A_60, %get3A_63, %dot_general3A_64 {dimension_numbers = #tpu.dot_dimension_numbers<[1], [0], [0], [1], [0, 0, 1, 1], [], []>, transpose_lhs_hint = false} : vector<128x64xf32>, vector<64x1xf32>, vector<128x1xf32> -> vector<128x1xf32>
      %get3A_66 = arith.constant 0 : index
      %get3A_67 = arith.constant 0 : index
      %get3A_68 = vector.load %arg6[%get3A_66, %get3A_67] : memref<1x1xf32, #tpu.memory_space<vmem>>, vector<1x1xf32>
      %add3A_69 = vector.broadcast %get3A_68 : vector<1x1xf32> to vector<128x1xf32>
      %add3A_70 = arith.addf %dot_general3A_65, %add3A_69 : vector<128x1xf32>
      %swap3A_71 = arith.constant 0 : index
      %swap3A_72 = arith.constant 0 : index
      %swap3A_73 = vector.load %arg7[%swap3A_71, %swap3A_72] : memref<128x1xf32, #tpu.memory_space<vmem>>, vector<128x1xf32>
      tpu.vector_store %arg7[%swap3A_71, %swap3A_72], %add3A_70 {strides = array<i32>} : memref<128x1xf32, #tpu.memory_space<vmem>>, vector<128x1xf32>,
    } else {
    }
    return
  }
  func.func @transform_0(%arg0: i32) -> (i32, i32) {
    %c0_i32 = arith.constant 0 : i32
    %c0_i32_0 = arith.constant 0 : i32
    return %arg0, %c0_i32 : i32, i32
  }
  func.func @transform_1(%arg0: i32) -> (i32, i32) {
    %c0_i32 = arith.constant 0 : i32
    %c0_i32_0 = arith.constant 0 : i32
    return %arg0, %c0_i32 : i32, i32
  }
  func.func @transform_2(%arg0: i32) -> (i32, i32) {
    %c0_i32 = arith.constant 0 : i32
    %c0_i32_0 = arith.constant 0 : i32
    return %arg0, %c0_i32 : i32, i32
  }
  func.func @transform_3(%arg0: i32) -> (i32, i32, i32) {
    %c0_i32 = arith.constant 0 : i32
    %c0_i32_0 = arith.constant 0 : i32
    %c0_i32_1 = arith.constant 0 : i32
    return %arg0, %c0_i32, %c0_i32_0 : i32, i32, i32
  }
  func.func @transform_4(%arg0: i32) -> (i32, i32) {
    %c0_i32 = arith.constant 0 : i32
    %c0_i32_0 = arith.constant 0 : i32
    %c0_i32_1 = arith.constant 0 : i32
    return %c0_i32, %c0_i32_0 : i32, i32
  }
  func.func @transform_5(%arg0: i32) -> (i32, i32) {
    %c0_i32 = arith.constant 0 : i32
    %c0_i32_0 = arith.constant 0 : i32
    %c0_i32_1 = arith.constant 0 : i32
    return %c0_i32, %c0_i32_0 : i32, i32
  }
  func.func @transform_6(%arg0: i32) -> (i32, i32) {
    %c0_i32 = arith.constant 0 : i32
    %c0_i32_0 = arith.constant 0 : i32
    %c0_i32_1 = arith.constant 0 : i32
    return %c0_i32, %c0_i32_0 : i32, i32
  }
}

</mosaic_0001>

<sc_bundles>
// kernel: kernel.10.cloned.1.call-start
scs
__scs_entry_jumppad:
0x0: {  	(pc) =	sbr.rel $0x88, $3  }
0x1: {  	(tag) =	ssettag $0x0;
	lr =	simm.s32 $0x1  }
0x2: {  	[smem:$0x3F95] =	sst lr;
	_ =	strace $0xD0000000  }
0x3: {  	_ = 	snop  }
0x4: {  	_ = 	snop  }
0x5: {  	_ = 	snop  }
0x6: {  	_ = 	snop  }
0x7: {  	_ = 	snop  }
__scs_overlays_trampoline_lowered:
0x8: {  	[smem:$0x3FA4] =	sst s0  }
0x9: {  	[smem:$0x3FA5] =	sst s1  }
0xa: {  	[smem:$0x3FA6] =	sst s2  }
0xb: {  	[smem:$0x3FA7] =	sst s3  }
0xc: {  	[smem:$0x3FA8] =	sst s4  }
0xd: {  	[smem:$0x3FA9] =	sst s5  }
0xe: {  	[smem:$0x3FAA] =	sst s6  }
0xf: {  	[smem:$0x3FAB] =	sst s7  }
0x10: {  	[smem:$0x3FAC] =	sst s8  }
0x11: {  	[smem:$0x3FAD] =	sst s9;
	s0 =	simm.s32 @!p0 $0x0  }
0x12: {  	s1 =	sld [smem:$0x3F93];
	s0 =	simm.s32 @p0 $0x1  }
0x13: {  	[smem:$0x3FAE] =	sst s0;
	s0 =	simm.s32 @!p1 $0x0  }
0x14: {  	s2 =	sld [smem:$0x3F92];
	s0 =	simm.s32 @p1 $0x1  }
0x15: {  	[smem:$0x3FAF] =	sst s0;
	s0 =	simm.s32 @!p2 $0x0  }
0x16: {  	s3 =	sld [smem:$0x3FDB];
	s0 =	simm.s32 @p2 $0x1  }
0x17: {  	s4 =	simm.s32 $0x1BF5;
	[smem:$0x3FB1] =	sst s0  }
0x18: {  	s0 =	sld [smem:$0x3F94];
	_ =	swait.ge [sflag:s4], $0x0  }
0x19: {  	s7 =	sld [smem:$0x3F95]  }
0x1a: {  	s8 =	sadd.s32 $0xFFFFE003, lr  }
0x1b: {  	s9 =	sadd.s32 $0xFFFFFEF7, lr;
	s5 =	simm.s32 $0xFFFFFFFF;
	p2 =	slt.u32 s8, $0xFFFFF086  }
0x1c: {  	p1 =	slt.u32 s9, $0xF7A;
	s5 =	simm.s32 @!p2 $0x0  }
0x1d: {  	s5 =	simm.s32 @p1 $0x1;
	p0 =	seq.s32 s7, s2  }
0x1e: {  	s7 =	smul.u32 @!p0 $0xF7A, s2;
	p2 =	seq.s32 @!p0 s5, $0x0  }
0x1f: {  	s9 =	smul.u32 $0xF7A, s1;
	s8 =	simm.s32 @!p0 $0x1BF5;
	p2 =	por !p2, p0  }
0x20: {  	[sflag:s8] =	ssyncset.s32 @!p0 $0xFFFFF086;
	s6 =	sadd.s32 @!p0 s3, s7;
	s7 =	simm.s32 @!p0 $0x108  }
0x21: {  	s3 =	sadd.s32 s3, s9;
	s6 =	sadd.s32 @!p0 $0x88, s6;
	s7 =	simm.s32 @p2 $0x1082  }
0x22: {  	[simem:s7], [sflag:s8] =	dma.local @!p0 [hbm:s6], $0xF7A  }
0x23: {  	s9 =	sor.u32 $0xD0000000, s2;
	s6 =	simm.s32 $0x108;
	_ =	swait.ge @!p0 [sflag:s8], $0x0  }
0x24: {  	s3 =	sadd.s32 $0x88, s3;
	s6 =	simm.s32 @!p1 $0x1082;
	[sflag:s4] =	ssyncset.s32 $0xFFFFF086  }
0x25: {  	[simem:s6], [sflag:s4] =	dma.local [hbm:s3], $0xF7A  }
0x26: {  	[smem:$0x3F95] =	sst s1;
	(tag) =	ssettag s2;
	_ =	strace s9  }
0x27: {  	s1 =	sld [smem:$0x3FA5]  }
0x28: {  	s2 =	sld [smem:$0x3FA6]  }
0x29: {  	s4 =	sld [smem:$0x3FA8]  }
0x2a: {  	p0 =	seq.s32 s5, $0x0;
	s5 =	sld [smem:$0x3FA9]  }
0x2b: {  	s6 =	sld [smem:$0x3FAA]  }
0x2c: {  	s7 =	sld [smem:$0x3FAB]  }
0x2d: {  	s3 =	simm.s32 $0x108;
	s8 =	sld [smem:$0x3FAC]  }
0x2e: {  	s3 =	simm.s32 @!p0 $0x1082;
	s9 =	sld [smem:$0x3FAD]  }
0x2f: {  	lr =	sadd.s32 s0, s3;
	s0 =	sld [smem:$0x3FA4]  }
0x30: {  	s3 =	sld [smem:$0x3FA7]  }
0x31: {  	[smem:$0x3FB0] =	sst s10  }
0x32: {  	s10 =	sld [smem:$0x3FAE];
	_ =	sdelay $0x3  }
0x33: {  	p0 =	seq.s32 s10, $0x1;
	s10 =	sld [smem:$0x3FB0];
	_ =	sdelay $0x3  }
0x34: {  	[smem:$0x3FB0] =	sst s10  }
0x35: {  	s10 =	sld [smem:$0x3FAF];
	_ =	sdelay $0x3  }
0x36: {  	p1 =	seq.s32 s10, $0x1;
	s10 =	sld [smem:$0x3FB0];
	_ =	sdelay $0x3  }
0x37: {  	[smem:$0x3FB0] =	sst s10  }
0x38: {  	s10 =	sld [smem:$0x3FB1]  }
0x39: {  	_ = 	snop;
	(pc) =	sbr.ind lr, $3  }
0x3a: {  	_ = 	snop  }
0x3b: {  	_ = 	snop  }
0x3c: {  	p2 =	seq.s32 s10, $0x1;
	s10 =	sld [smem:$0x3FB0]  }
0x3d: {  	_ =	shalt  }
0x3e: {  	_ =	shalt  }
0x3f: {  	_ =	shalt  }
0x40: {  	_ =	shalt  }
0x41: {  	_ =	shalt  }
0x42: {  	_ =	shalt  }
0x43: {  	_ =	shalt  }
0x44: {  	_ =	shalt  }
0x45: {  	_ =	shalt  }
0x46: {  	_ =	shalt  }
0x47: {  	_ =	shalt  }
0x48: {  	_ =	shalt  }
0x49: {  	_ =	shalt  }
0x4a: {  	_ =	shalt  }
0x4b: {  	_ =	shalt  }
0x4c: {  	_ =	shalt  }
0x4d: {  	_ =	shalt  }
0x4e: {  	_ =	shalt  }
0x4f: {  	_ =	shalt  }
0x50: {  	_ =	shalt  }
0x51: {  	_ =	shalt  }
0x52: {  	_ =	shalt  }
0x53: {  	_ =	shalt  }
0x54: {  	_ =	shalt  }
0x55: {  	_ =	shalt  }
0x56: {  	_ =	shalt  }
0x57: {  	_ =	shalt  }
0x58: {  	_ =	shalt  }
0x59: {  	_ =	shalt  }
0x5a: {  	_ =	shalt  }
0x5b: {  	_ =	shalt  }
0x5c: {  	_ =	shalt  }
0x5d: {  	_ =	shalt  }
0x5e: {  	_ =	shalt  }
0x5f: {  	_ =	shalt  }
0x60: {  	_ =	shalt  }
0x61: {  	_ =	shalt  }
0x62: {  	_ =	shalt  }
0x63: {  	_ =	shalt  }
0x64: {  	_ =	shalt  }
0x65: {  	_ =	shalt  }
0x66: {  	_ =	shalt  }
0x67: {  	_ =	shalt  }
0x68: {  	_ =	shalt  }
0x69: {  	_ =	shalt  }
0x6a: {  	_ =	shalt  }
0x6b: {  	_ =	shalt  }
0x6c: {  	_ =	shalt  }
0x6d: {  	_ =	shalt  }
0x6e: {  	_ =	shalt  }
0x6f: {  	_ =	shalt  }
0x70: {  	_ =	shalt  }
0x71: {  	_ =	shalt  }
0x72: {  	_ =	shalt  }
0x73: {  	_ =	shalt  }
0x74: {  	_ =	shalt  }
0x75: {  	_ =	shalt  }
0x76: {  	_ =	shalt  }
0x77: {  	_ =	shalt  }
0x78: {  	_ =	shalt  }
0x79: {  	_ =	shalt  }
0x7a: {  	_ =	shalt  }
0x7b: {  	_ =	shalt  }
0x7c: {  	_ =	shalt  }
0x7d: {  	_ =	shalt  }
0x7e: {  	_ =	shalt  }
0x7f: {  	_ =	shalt  }
0x80: {  	_ =	shalt  }
0x81: {  	_ =	shalt  }
0x82: {  	_ =	shalt  }
0x83: {  	_ =	shalt  }
0x84: {  	_ =	shalt  }
0x85: {  	_ =	shalt  }
0x86: {  	_ =	shalt  }
0x87: {  	_ =	shalt  }
.Lfunc_end0:
.L_simem_size_0:
called_computation.1_lowered:
.L_overlay_start_0:
0x88: {  	s2 =	sld [smem:$0x3FD9]  }
0x89: {  	s3 =	sld [smem:$0x3FFE];
	_ =	sdelay $0x1  }
0x8a: {  	s1 =	srdreg.scid  }
0x8b: {  	s0 =	sand.u32 $0x1, s1  }
0x8c: {  	s16 =	sshll.u32 s0, $0xA;
	s2 =	sadd.s32 s3, s2  }
0x8d: {  	s2 =	sadd.s32 s2, s16  }
0x8e: {  	[smem:$0x3FBC] =	sst s2  }
0x8f: {  	_ = 	snop  }
0x90: {  	(tm) =	ssettm $0x1  }
0x91: {  	s17 =	sld [smem:$0x3FFB];
	_ =	sdelay $0x3  }
0x92: {  	_ =	strace s17  }
0x93: {  	s2 =	sld [smem:$0x3FFC];
	_ =	sdelay $0x3  }
0x94: {  	_ =	strace s2  }
0x95: {  	s2 =	sld [smem:$0x3FFD];
	_ =	sdelay $0x3  }
0x96: {  	_ =	strace s2  }
0x97: {  	_ =	strace $0x8FFFFFFF  }
0x98: {  	s18 =	sld [smem:$0x3FDB];
	_ =	sdelay $0x1  }
0x99: {  	s19 =	simm.s32 $_scs_section_size  }
0x9a: {  	s4 =	simm.s32 $_size__tile_overlayer_lowered;
	s5 =	simm.s32 $_tile_overlayer_lowered  }
0x9b: {  	s22 =	simm.s32 $0x1BFF;
	s21 =	sshll.u32 s5, $0x1;
	s2 =	sadd.s32 s19, s18  }
0x9c: {  	s6 =	simm.s32 $0x0;
	s20 =	sshll.u32 s4, $0x1;
	s4 =	sadd.s32 s21, s2  }
0x9d: {  	[timem:s6], [sflag:s22] =	dma.local [hbm:s4], s20  }
0x9e: {  	_ =	swait.ge [sflag:s22], s20  }
0x9f: {  	s3 =	ssub.s32 $0x0, s20;
	[sflag:s22] =	ssyncset.done $0x0  }
0xa0: {  	[sflag:s22] =	ssyncadd.s32 s3;
	_ =	sdelay $0x1  }
0xa1: {  	s23 =	simm.s32 $0x1B8B  }
0xa2: {  	_ =	swait.ge [sflag:s23], $0x1  }
0xa3: {  	[sflag:s23] =	ssyncset.done $0x0  }
0xa4: {  	s25 =	simm.s32 $0x1B8E;
	s24 =	sld [smem:$0x3FFE];
	[sflag:s23] =	ssyncadd.s32 $0xFFFFFFFF  }
0xa5: {  	s26 =	simm.s32 $execute0_lowered;
	[smem:$0x3FD2] =	sst s25  }
0xa6: {  	s4 =	sshll.u32 s26, $0x1;
	_ =	strace $0x80000049;
	[dreg:$0x1] =	wrdreg $0xFFFFFFFF  }
0xa7: {  	s28 =	simm.s32 $_size_execute0_lowered;
	s2 =	sadd.s32 s2, s4;
	[dreg:$0x0] =	wrdreg $0x0  }
0xa8: {  	s4 =	sshll.u32 s28, $0x1;
	[dreg:$0x2] =	wrdreg s2  }
0xa9: {  	[dreg:$0x3] =	wrdreg s4  }
0xaa: {  	[dreg:$0x4] =	wrdreg $0xC0  }
0xab: {  	_ =	task [dreg:s6], $0x5FFFF  }
0xac: {  	[dreg:$0x1] =	wrdreg $0xFFFFFFFF  }
0xad: {  	[dreg:$0x0] =	wrdreg $0x60  }
0xae: {  	[dreg:$0x2] =	wrdreg s24  }
0xaf: {  	[dreg:$0x3] =	wrdreg $0x116200  }
0xb0: {  	[dreg:$0x4] =	wrdreg $0x9  }
0xb1: {  	_ =	task.clear_ibuf [dreg:s6], $0x5FFFF;
	_ =	strace $0x90000049  }
0xb2: {  	s29 =	simm.s32 $0x9;
	_ =	strace $0x8000004B  }
0xb3: {  	_ =	swait.ge [sflag:s29], $0x1  }
0xb4: {  	[sflag:s29] =	ssyncadd.s32 $0xFFFFFFFF  }
0xb5: {  	_ =	strace $0x9000004B  }
0xb6: {  	_ =	sfence  }
0xb7: {  	s30 =	sld [smem:$0x0];
	_ =	sdelay $0x2  }
0xb8: {  	s31 =	sshll.u32 s1, $0xD;
	s1 =	sshrl.u32 s1, $0x2  }
0xb9: {  	s3 =	sand.u32 $0x4000, s31;
	s1 =	sadd.s32 s1, s30  }
0xba: {  	s0 =	sor.u32 s3, s0;
	s1 =	sshll.u32 s1, $0x11  }
0xbb: {  	s0 =	sor.u32 s1, s0  }
0xbc: {  	s0 =	sadd.s32 $0x8F2B, s0  }
0xbd: {  	[sflag:s0] =	ssyncadd.remote.s32 $0x1  }
0xbe: {  	_ =	sfence.sel $0xFFFF  }
0xbf: {  	[dreg:$0x0] =	wrdreg $0xFFFFFFFF;
	(pc) =	sbr.abs _section_cstart, $3  }
0xc0: {  	[dreg:$0x1] =	wrdreg $0xFFFFFFFF  }
0xc1: {  	_ =	task.clear_ibuf [dreg:s6], $0x2FFFF;
	_ =	strace $0x9FFFFFFF  }
0xc2: {  	(tm) =	ssettm $0x7FFFFFFF  }
0xc3: {  	_ =	shalt  }
tec
execute0_lowered:
.L_overlay_start_1:
0x0: {  	(tag) =	ssettag $0x1  }
0x1: {  	s6 =	rddreg [dreg:$0x0]  }
0x2: {  	s0 =	srdreg.scid;
	s2 =	rddreg [dreg:$0x1]  }
0x3: {  	s3 =	simm.s32 $0x0;
	s14 =	simm.s32 $0x190;
	s15 =	simm.s32 $0x4E20  }
0x4: {  	s16 =	simm.s32 $0xB220;
	s17 =	simm.s32 $0x1;
	s18 =	simm.s32 $0x2  }
0x5: {  	s19 =	simm.s32 $0x4C90;
	s20 =	simm.s32 $0x10;
	s21 =	simm.s32 $0x8  }
0x6: {  	s22 =	simm.s32 $0x0;
	s5 =	sand.u32 $0x1, s0;
	s0 =	stileid.u32  }
0x7: {  	[smem:$0x7FF] =	sst s3;
	s1 =	sshll.u32 s5, $0x4;
	s8 =	smul.u32 $0x14000, s0  }
0x8: {  	s9 =	smul.u32 $0xA000, s0;
	s10 =	sshll.u32 s5, $0x6;
	s5 =	ssub.s32 $0x2, s5  }
0x9: {  	s12 =	sshll.u32 s0, $0x6;
	s4 =	sor.u32 s0, s1;
	s1 =	rddreg [dreg:$0x2]  }
0xa: {  	_ =	strace $0x8000004A;
	s31 =	sshrl.u32 s5, $0x1;
	s12 =	sor.u32 $0x1C03, s12  }
0xb: {  	s7 =	smul.u32 $0x4E2, s4;
	s4 =	sadd.s32 $0x17200, s6;
	s8 =	sor.u32 s10, s8  }
0xc: {  	s30 =	sshrl.u32 s9, $0x3;
	s11 =	ssub.s32 s5, s31;
	s13 =	sadd.s32 s9, s2  }
0xd: {  	s8 =	sshrl.u32 s8, $0x3;
	s10 =	sadd.s32 s30, s6;
	s9 =	smax.u32 s11, $0x1  }
0xe: {  	s11 =	simm.s32 $0x2710;
	s13 =	sshrl.u32 s13, $0x3;
	s7 =	sadd.s32 s7, s6  }
0xf: {  	s8 =	sadd.s32 s8, s6;
	s5 =	sadd.s32 $0xD400, s7;
	s6 =	sadd.s32 $0x3600, s7  }
0x10: {  	s7 =	sadd.s32 $0x3E400, s10;
	s8 =	sadd.s32 $0x52400, s8;
	s10 =	simm.s32 $0x3  }
.LBB2_1:
0x11: {  	[tilespmem:s3], [sflag:$0x3] =	stream.linear.gather [hbm4b:s5+s3], $0x2710, $0x38;
	[tilespmem:$0x1B620] =	vst v63  }
0x12: {  	_ =	swait.ge [sflag:s10], $0x2710  }
0x13: {  	[sflag:s10] =	ssyncset.done $0x0  }
0x14: {  	[sflag:s10] =	ssyncadd.s32 $0xFFFFD8F0  }
0x15: {  	[tilespmem:s11], [sflag:$0x3] =	stream.linear.gather [hbm4b:s6+s3], $0x2710, $0x38;
	[tilespmem:$0x1B620] =	vst v63  }
0x16: {  	_ =	swait.ge [sflag:s10], $0x2710  }
0x17: {  	[sflag:s10] =	ssyncset.done $0x0  }
0x18: {  	[sflag:s10] =	ssyncadd.s32 $0xFFFFD8F0  }
0x19: {  	[spmem:s13], [sflag:s12] =	dma.local [hbm:s7], $0x1400  }
0x1a: {  	_ =	swait.ge [sflag:s10], $0x1400  }
0x1b: {  	[sflag:s10] =	ssyncset.done $0x0  }
0x1c: {  	[sflag:s10] =	ssyncadd.s32 $0xFFFFEC00  }
0x1d: {  	[bflag:$0x0] =	sbarrier.arrive $0xFFFF  }
0x1e: {  	[tilespmem:s15], [sflag:$0x1] =	stream.indirect.gather [hbm4b:s4+s14], $0x40, s3, s14, $0xb8;
	[tilespmem:$0x1B620] =	vst v63  }
0x1f: {  	s23 =	simm.s32 $0x190  }
0x20: {  	[tilespmem:s16], [sflag:$0x2] =	stream.indirect.gather [hbm4b:s4+s14], $0x40, s23, s14, $0xb8;
	[tilespmem:$0x1B620] =	vst v63  }
0x21: {  	_ =	swait.ge [sflag:s17], $0x6400  }
0x22: {  	[sflag:s17] =	ssyncset.done $0x0  }
0x23: {  	s29 =	simm.s32 $0x2710;
	[sflag:s17] =	ssyncadd.s32 $0xFFFF9C00  }
0x24: {  	[spmem:s2] =	stream.indirect.scatter.add.f32 [tilespmem:s15], [sflag:$0x3], $0x40, s29, s14, $0xb8;
	[tilespmem:$0x1B620] =	vst v63  }
0x25: {  	_ =	swait.ge [sflag:s10], $0x6400  }
0x26: {  	[sflag:s10] =	ssyncset.done $0x0  }
0x27: {  	s30 =	simm.s32 $0x320;
	[sflag:s10] =	ssyncadd.s32 $0xFFFF9C00  }
0x28: {  	[tilespmem:s15], [sflag:$0x1] =	stream.indirect.gather [hbm4b:s4+s14], $0x40, s30, s14, $0xb8;
	[tilespmem:$0x1B620] =	vst v63  }
0x29: {  	_ =	swait.ge [sflag:s18], $0x6400  }
0x2a: {  	[sflag:s18] =	ssyncset.done $0x0  }
0x2b: {  	s31 =	simm.s32 $0x28A0;
	[sflag:s18] =	ssyncadd.s32 $0xFFFF9C00  }
0x2c: {  	[spmem:s2] =	stream.indirect.scatter.add.f32 [tilespmem:s16], [sflag:$0x3], $0x40, s31, s14, $0xb8;
	[tilespmem:$0x1B620] =	vst v63  }
0x2d: {  	_ =	swait.ge [sflag:s10], $0x6400  }
0x2e: {  	s24 =	simm.s32 $0x1900;
	s23 =	simm.s32 $0x320;
	[sflag:s10] =	ssyncset.done $0x0  }
.LBB2_2:
0x2f: {  	s25 =	sadd.s32 $0x190, s23  }
0x30: {  	[sflag:s10] =	ssyncadd.s32 $0xFFFF9C00;
	s26 =	smov.u32 s24;
	s28 =	sadd.s32 $0xC80, s24  }
0x31: {  	[tilespmem:s16], [sflag:$0x2] =	stream.indirect.gather [hbm4b:s4+s14], $0x40, s25, s14, $0xb8;
	[tilespmem:$0x1B620] =	vst v63  }
0x32: {  	p0 =	sne.s32 s24, $0x8980;
	_ =	swait.ge [sflag:s17], $0x6400  }
0x33: {  	[sflag:s17] =	ssyncset.done $0x0  }
0x34: {  	s24 =	sadd.s32 $0x2710, s23;
	[sflag:s17] =	ssyncadd.s32 $0xFFFF9C00  }
0x35: {  	[spmem:s2] =	stream.indirect.scatter.add.f32 [tilespmem:s15], [sflag:$0x3], $0x40, s24, s14, $0xb8;
	[tilespmem:$0x1B620] =	vst v63  }
0x36: {  	_ =	swait.ge [sflag:s10], $0x6400  }
0x37: {  	[sflag:s10] =	ssyncset.done $0x0  }
0x38: {  	s24 =	sadd.s32 $0x320, s23;
	[sflag:s10] =	ssyncadd.s32 $0xFFFF9C00  }
0x39: {  	[tilespmem:s15], [sflag:$0x1] =	stream.indirect.gather [hbm4b:s4+s14], $0x40, s24, s14, $0xb8;
	[tilespmem:$0x1B620] =	vst v63  }
0x3a: {  	_ =	swait.ge [sflag:s18], $0x6400  }
.Ltmp0:
0x3b: {  	[sflag:s18] =	ssyncset.done $0x0;
	(pc) =	sbr.rel @p0 .LBB2_2-.Ltmp0, $4  }
0x3c: {  	s23 =	sadd.s32 $0x28A0, s23;
	[sflag:s18] =	ssyncadd.s32 $0xFFFF9C00  }
0x3d: {  	[spmem:s2] =	stream.indirect.scatter.add.f32 [tilespmem:s16], [sflag:$0x3], $0x40, s23, s14, $0xb8;
	[tilespmem:$0x1B620] =	vst v63  }
0x3e: {  	_ =	swait.ge [sflag:s10], $0x6400  }
0x3f: {  	s24 =	smov.u32 s28;
	s23 =	sshra.s32 s26, $0x2;
	[sflag:s10] =	ssyncset.done $0x0  }
0x40: {  	s24 =	sadd.s32 $0x190, s23;
	[sflag:s10] =	ssyncadd.s32 $0xFFFF9C00  }
0x41: {  	[tilespmem:s16], [sflag:$0x2] =	stream.indirect.gather [hbm4b:s4+s14], $0x40, s24, s14, $0xb8;
	[tilespmem:$0x1B620] =	vst v63  }
0x42: {  	_ =	swait.ge [sflag:s17], $0x6400  }
0x43: {  	[sflag:s17] =	ssyncset.done $0x0  }
0x44: {  	s29 =	sadd.s32 $0x2710, s23;
	[sflag:s17] =	ssyncadd.s32 $0xFFFF9C00  }
0x45: {  	[spmem:s2] =	stream.indirect.scatter.add.f32 [tilespmem:s15], [sflag:$0x3], $0x40, s29, s14, $0xb8;
	[tilespmem:$0x1B620] =	vst v63  }
0x46: {  	_ =	swait.ge [sflag:s10], $0x6400  }
0x47: {  	[sflag:s10] =	ssyncset.done $0x0  }
0x48: {  	s30 =	sadd.s32 $0x320, s23;
	[sflag:s10] =	ssyncadd.s32 $0xFFFF9C00  }
0x49: {  	[tilespmem:s15], [sflag:$0x1] =	stream.indirect.gather [hbm4b:s4+s14], $0x40, s30, s14, $0xb8;
	[tilespmem:$0x1B620] =	vst v63  }
0x4a: {  	_ =	swait.ge [sflag:s18], $0x6400  }
0x4b: {  	[sflag:s18] =	ssyncset.done $0x0  }
0x4c: {  	s31 =	sadd.s32 $0x28A0, s23;
	[sflag:s18] =	ssyncadd.s32 $0xFFFF9C00  }
0x4d: {  	[spmem:s2] =	stream.indirect.scatter.add.f32 [tilespmem:s16], [sflag:$0x3], $0x40, s31, s14, $0xb8;
	[tilespmem:$0x1B620] =	vst v63  }
0x4e: {  	_ =	swait.ge [sflag:s10], $0x6400  }
0x4f: {  	[sflag:s10] =	ssyncset.done $0x0  }
0x50: {  	[sflag:s10] =	ssyncadd.s32 $0xFFFF9C00  }
0x51: {  	_ =	swait.ge [sflag:s17], $0x6400  }
0x52: {  	[sflag:s17] =	ssyncset.done $0x0  }
0x53: {  	[sflag:s17] =	ssyncadd.s32 $0xFFFF9C00  }
0x54: {  	[spmem:s2] =	stream.indirect.scatter.add.f32 [tilespmem:s15], [sflag:$0x3], $0x40, s19, s14, $0xb8;
	[tilespmem:$0x1B620] =	vst v63  }
0x55: {  	_ =	swait.ge [sflag:s10], $0x6400  }
0x56: {  	s22 =	sadd.s32 $0x1, s22;
	[sflag:s10] =	ssyncset.done $0x0  }
0x57: {  	p0 =	sne.s32 s22, s9;
	[sflag:s10] =	ssyncadd.s32 $0xFFFF9C00  }
.Ltmp1:
0x58: {  	[bflag:$0x0] =	sbarrier.arrive $0xFFFF;
	(pc) =	sbr.rel @p0 .LBB2_1-.Ltmp1, $4  }
0x59: {  	[hbm:s8@s20], [sflag:s12] =	dma.strided [spmem:s13@s21], $0x1400, s17, $0x8   }
0x5a: {  	_ =	swait.ge [sflag:s10], $0x1400  }
0x5b: {  	[sflag:s10] =	ssyncset.done $0x0  }
0x5c: {  	[sflag:s10] =	ssyncadd.s32 $0xFFFFEC00  }
0x5d: {  	_ =	sfence.sel $0x180000  }
0x5e: {  	[bflag:$0x0] =	sbarrier.arrive $0xFFFF  }
0x5f: {  	p0 =	sne.s32 s0, $0x0;
	_ =	strace $0x9000004A  }
0x60: {  	s0 =	sadd.s32 @!p0 $0x100000, s1;
	[bflag:$0x2] =	sbarrier.arrive $0xFFFF  }
0x61: {  	[sflag:s0] =	ssyncadd.tile.s32 @!p0 $0x1;
	_ =	shalt  }
.Lfunc_end2:
_tile_overlayer_lowered:
.L_overlay_start_2:
0x62: {  	(tag) =	ssettag $0x2  }
0x63: {  	s0 =	rddreg [dreg:$0x0];
	s2 =	stileid.u32  }
0x64: {  	s1 =	rddreg [dreg:$0x1];
	p0 =	sne.s32 s2, $0x0  }
0x65: {  	s3 =	rddreg [dreg:$0x2];
	[bflag:$0x3] =	sbarrier.arrive $0xFFFF;
	s2 =	simm.s32 @!p0 $0x1C03  }
0x66: {  	[timem:s3], [sflag:s2] =	dma.local @!p0 [hbm:s0], s1  }
0x67: {  	s0 =	simm.s32 @!p0 $0x3  }
0x68: {  	_ =	swait.ge @!p0 [sflag:s0], s1  }
0x69: {  	s1 =	ssub.s32 @!p0 $0x0, s1;
	[sflag:s0] =	ssyncset.done @!p0 $0x0  }
0x6a: {  	[sflag:s0] =	ssyncadd.s32 @!p0 s1  }
0x6b: {  	[bflag:$0x3] =	sbarrier.arrive $0xFFFF  }
0x6c: {  	_ =	shalt  }

// kernel: kernel.7.cloned.1.call-start
scs
__scs_entry_jumppad:
0x0: {  	(pc) =	sbr.rel $0x88, $3  }
0x1: {  	(tag) =	ssettag $0x0;
	lr =	simm.s32 $0x1  }
0x2: {  	[smem:$0x3F95] =	sst lr;
	_ =	strace $0xD0000000  }
0x3: {  	_ = 	snop  }
0x4: {  	_ = 	snop  }
0x5: {  	_ = 	snop  }
0x6: {  	_ = 	snop  }
0x7: {  	_ = 	snop  }
__scs_overlays_trampoline_lowered:
0x8: {  	[smem:$0x3FA4] =	sst s0  }
0x9: {  	[smem:$0x3FA5] =	sst s1  }
0xa: {  	[smem:$0x3FA6] =	sst s2  }
0xb: {  	[smem:$0x3FA7] =	sst s3  }
0xc: {  	[smem:$0x3FA8] =	sst s4  }
0xd: {  	[smem:$0x3FA9] =	sst s5  }
0xe: {  	[smem:$0x3FAA] =	sst s6  }
0xf: {  	[smem:$0x3FAB] =	sst s7  }
0x10: {  	[smem:$0x3FAC] =	sst s8  }
0x11: {  	[smem:$0x3FAD] =	sst s9;
	s0 =	simm.s32 @!p0 $0x0  }
0x12: {  	s1 =	sld [smem:$0x3F93];
	s0 =	simm.s32 @p0 $0x1  }
0x13: {  	[smem:$0x3FAE] =	sst s0;
	s0 =	simm.s32 @!p1 $0x0  }
0x14: {  	s2 =	sld [smem:$0x3F92];
	s0 =	simm.s32 @p1 $0x1  }
0x15: {  	[smem:$0x3FAF] =	sst s0;
	s0 =	simm.s32 @!p2 $0x0  }
0x16: {  	s3 =	sld [smem:$0x3FDB];
	s0 =	simm.s32 @p2 $0x1  }
0x17: {  	s4 =	simm.s32 $0x1BF5;
	[smem:$0x3FB1] =	sst s0  }
0x18: {  	s0 =	sld [smem:$0x3F94];
	_ =	swait.ge [sflag:s4], $0x0  }
0x19: {  	s7 =	sld [smem:$0x3F95]  }
0x1a: {  	s8 =	sadd.s32 $0xFFFFE003, lr  }
0x1b: {  	s9 =	sadd.s32 $0xFFFFFEF7, lr;
	s5 =	simm.s32 $0xFFFFFFFF;
	p2 =	slt.u32 s8, $0xFFFFF086  }
0x1c: {  	p1 =	slt.u32 s9, $0xF7A;
	s5 =	simm.s32 @!p2 $0x0  }
0x1d: {  	s5 =	simm.s32 @p1 $0x1;
	p0 =	seq.s32 s7, s2  }
0x1e: {  	s7 =	smul.u32 @!p0 $0xF7A, s2;
	p2 =	seq.s32 @!p0 s5, $0x0  }
0x1f: {  	s9 =	smul.u32 $0xF7A, s1;
	s8 =	simm.s32 @!p0 $0x1BF5;
	p2 =	por !p2, p0  }
0x20: {  	[sflag:s8] =	ssyncset.s32 @!p0 $0xFFFFF086;
	s6 =	sadd.s32 @!p0 s3, s7;
	s7 =	simm.s32 @!p0 $0x108  }
0x21: {  	s3 =	sadd.s32 s3, s9;
	s6 =	sadd.s32 @!p0 $0x88, s6;
	s7 =	simm.s32 @p2 $0x1082  }
0x22: {  	[simem:s7], [sflag:s8] =	dma.local @!p0 [hbm:s6], $0xF7A  }
0x23: {  	s9 =	sor.u32 $0xD0000000, s2;
	s6 =	simm.s32 $0x108;
	_ =	swait.ge @!p0 [sflag:s8], $0x0  }
0x24: {  	s3 =	sadd.s32 $0x88, s3;
	s6 =	simm.s32 @!p1 $0x1082;
	[sflag:s4] =	ssyncset.s32 $0xFFFFF086  }
0x25: {  	[simem:s6], [sflag:s4] =	dma.local [hbm:s3], $0xF7A  }
0x26: {  	[smem:$0x3F95] =	sst s1;
	(tag) =	ssettag s2;
	_ =	strace s9  }
0x27: {  	s1 =	sld [smem:$0x3FA5]  }
0x28: {  	s2 =	sld [smem:$0x3FA6]  }
0x29: {  	s4 =	sld [smem:$0x3FA8]  }
0x2a: {  	p0 =	seq.s32 s5, $0x0;
	s5 =	sld [smem:$0x3FA9]  }
0x2b: {  	s6 =	sld [smem:$0x3FAA]  }
0x2c: {  	s7 =	sld [smem:$0x3FAB]  }
0x2d: {  	s3 =	simm.s32 $0x108;
	s8 =	sld [smem:$0x3FAC]  }
0x2e: {  	s3 =	simm.s32 @!p0 $0x1082;
	s9 =	sld [smem:$0x3FAD]  }
0x2f: {  	lr =	sadd.s32 s0, s3;
	s0 =	sld [smem:$0x3FA4]  }
0x30: {  	s3 =	sld [smem:$0x3FA7]  }
0x31: {  	[smem:$0x3FB0] =	sst s10  }
0x32: {  	s10 =	sld [smem:$0x3FAE];
	_ =	sdelay $0x3  }
0x33: {  	p0 =	seq.s32 s10, $0x1;
	s10 =	sld [smem:$0x3FB0];
	_ =	sdelay $0x3  }
0x34: {  	[smem:$0x3FB0] =	sst s10  }
0x35: {  	s10 =	sld [smem:$0x3FAF];
	_ =	sdelay $0x3  }
0x36: {  	p1 =	seq.s32 s10, $0x1;
	s10 =	sld [smem:$0x3FB0];
	_ =	sdelay $0x3  }
0x37: {  	[smem:$0x3FB0] =	sst s10  }
0x38: {  	s10 =	sld [smem:$0x3FB1]  }
0x39: {  	_ = 	snop;
	(pc) =	sbr.ind lr, $3  }
0x3a: {  	_ = 	snop  }
0x3b: {  	_ = 	snop  }
0x3c: {  	p2 =	seq.s32 s10, $0x1;
	s10 =	sld [smem:$0x3FB0]  }
0x3d: {  	_ =	shalt  }
0x3e: {  	_ =	shalt  }
0x3f: {  	_ =	shalt  }
0x40: {  	_ =	shalt  }
0x41: {  	_ =	shalt  }
0x42: {  	_ =	shalt  }
0x43: {  	_ =	shalt  }
0x44: {  	_ =	shalt  }
0x45: {  	_ =	shalt  }
0x46: {  	_ =	shalt  }
0x47: {  	_ =	shalt  }
0x48: {  	_ =	shalt  }
0x49: {  	_ =	shalt  }
0x4a: {  	_ =	shalt  }
0x4b: {  	_ =	shalt  }
0x4c: {  	_ =	shalt  }
0x4d: {  	_ =	shalt  }
0x4e: {  	_ =	shalt  }
0x4f: {  	_ =	shalt  }
0x50: {  	_ =	shalt  }
0x51: {  	_ =	shalt  }
0x52: {  	_ =	shalt  }
0x53: {  	_ =	shalt  }
0x54: {  	_ =	shalt  }
0x55: {  	_ =	shalt  }
0x56: {  	_ =	shalt  }
0x57: {  	_ =	shalt  }
0x58: {  	_ =	shalt  }
0x59: {  	_ =	shalt  }
0x5a: {  	_ =	shalt  }
0x5b: {  	_ =	shalt  }
0x5c: {  	_ =	shalt  }
0x5d: {  	_ =	shalt  }
0x5e: {  	_ =	shalt  }
0x5f: {  	_ =	shalt  }
0x60: {  	_ =	shalt  }
0x61: {  	_ =	shalt  }
0x62: {  	_ =	shalt  }
0x63: {  	_ =	shalt  }
0x64: {  	_ =	shalt  }
0x65: {  	_ =	shalt  }
0x66: {  	_ =	shalt  }
0x67: {  	_ =	shalt  }
0x68: {  	_ =	shalt  }
0x69: {  	_ =	shalt  }
0x6a: {  	_ =	shalt  }
0x6b: {  	_ =	shalt  }
0x6c: {  	_ =	shalt  }
0x6d: {  	_ =	shalt  }
0x6e: {  	_ =	shalt  }
0x6f: {  	_ =	shalt  }
0x70: {  	_ =	shalt  }
0x71: {  	_ =	shalt  }
0x72: {  	_ =	shalt  }
0x73: {  	_ =	shalt  }
0x74: {  	_ =	shalt  }
0x75: {  	_ =	shalt  }
0x76: {  	_ =	shalt  }
0x77: {  	_ =	shalt  }
0x78: {  	_ =	shalt  }
0x79: {  	_ =	shalt  }
0x7a: {  	_ =	shalt  }
0x7b: {  	_ =	shalt  }
0x7c: {  	_ =	shalt  }
0x7d: {  	_ =	shalt  }
0x7e: {  	_ =	shalt  }
0x7f: {  	_ =	shalt  }
0x80: {  	_ =	shalt  }
0x81: {  	_ =	shalt  }
0x82: {  	_ =	shalt  }
0x83: {  	_ =	shalt  }
0x84: {  	_ =	shalt  }
0x85: {  	_ =	shalt  }
0x86: {  	_ =	shalt  }
0x87: {  	_ =	shalt  }
.Lfunc_end0:
.L_simem_size_0:
called_computation_lowered:
.L_overlay_start_0:
0x88: {  	s2 =	sld [smem:$0x3FD9]  }
0x89: {  	s3 =	sld [smem:$0x3FFE];
	_ =	sdelay $0x1  }
0x8a: {  	s1 =	srdreg.scid  }
0x8b: {  	s0 =	sand.u32 $0x1, s1  }
0x8c: {  	s16 =	sshll.u32 s0, $0xA;
	s2 =	sadd.s32 s3, s2  }
0x8d: {  	s2 =	sadd.s32 s2, s16  }
0x8e: {  	[smem:$0x3FBC] =	sst s2  }
0x8f: {  	_ = 	snop  }
0x90: {  	(tm) =	ssettm $0x1  }
0x91: {  	s17 =	sld [smem:$0x3FFB];
	_ =	sdelay $0x3  }
0x92: {  	_ =	strace s17  }
0x93: {  	s2 =	sld [smem:$0x3FFC];
	_ =	sdelay $0x3  }
0x94: {  	_ =	strace s2  }
0x95: {  	s2 =	sld [smem:$0x3FFD];
	_ =	sdelay $0x3  }
0x96: {  	_ =	strace s2  }
0x97: {  	_ =	strace $0x8FFFFFFF  }
0x98: {  	s18 =	sld [smem:$0x3FDB];
	_ =	sdelay $0x1  }
0x99: {  	s19 =	simm.s32 $_scs_section_size  }
0x9a: {  	s4 =	simm.s32 $_size__tile_overlayer_lowered;
	s5 =	simm.s32 $_tile_overlayer_lowered  }
0x9b: {  	s22 =	simm.s32 $0x1BFF;
	s21 =	sshll.u32 s5, $0x1;
	s2 =	sadd.s32 s19, s18  }
0x9c: {  	s6 =	simm.s32 $0x0;
	s20 =	sshll.u32 s4, $0x1;
	s4 =	sadd.s32 s21, s2  }
0x9d: {  	[timem:s6], [sflag:s22] =	dma.local [hbm:s4], s20  }
0x9e: {  	_ =	swait.ge [sflag:s22], s20  }
0x9f: {  	s3 =	ssub.s32 $0x0, s20;
	[sflag:s22] =	ssyncset.done $0x0  }
0xa0: {  	[sflag:s22] =	ssyncadd.s32 s3;
	_ =	sdelay $0x1  }
0xa1: {  	s23 =	simm.s32 $0x1B8B  }
0xa2: {  	_ =	swait.ge [sflag:s23], $0x1  }
0xa3: {  	[sflag:s23] =	ssyncset.done $0x0  }
0xa4: {  	s25 =	simm.s32 $0x1B8E;
	s24 =	sld [smem:$0x3FFE];
	[sflag:s23] =	ssyncadd.s32 $0xFFFFFFFF  }
0xa5: {  	s26 =	simm.s32 $execute0_lowered;
	[smem:$0x3FD2] =	sst s25  }
0xa6: {  	s4 =	sshll.u32 s26, $0x1;
	_ =	strace $0x80000046;
	[dreg:$0x1] =	wrdreg $0xFFFFFFFF  }
0xa7: {  	s28 =	simm.s32 $_size_execute0_lowered;
	s2 =	sadd.s32 s2, s4;
	[dreg:$0x0] =	wrdreg $0x0  }
0xa8: {  	s4 =	sshll.u32 s28, $0x1;
	[dreg:$0x2] =	wrdreg s2  }
0xa9: {  	[dreg:$0x3] =	wrdreg s4  }
0xaa: {  	[dreg:$0x4] =	wrdreg $0xC0  }
0xab: {  	_ =	task [dreg:s6], $0x5FFFF  }
0xac: {  	[dreg:$0x1] =	wrdreg $0xFFFFFFFF  }
0xad: {  	[dreg:$0x0] =	wrdreg $0x60  }
0xae: {  	[dreg:$0x2] =	wrdreg s24  }
0xaf: {  	[dreg:$0x3] =	wrdreg $0x116200  }
0xb0: {  	[dreg:$0x4] =	wrdreg $0x1C2A00  }
0xb1: {  	[dreg:$0x5] =	wrdreg $0x9  }
0xb2: {  	_ =	task.clear_ibuf [dreg:s6], $0x6FFFF;
	_ =	strace $0x90000046  }
0xb3: {  	s29 =	simm.s32 $0x9;
	_ =	strace $0x80000048  }
0xb4: {  	_ =	swait.ge [sflag:s29], $0x1  }
0xb5: {  	[sflag:s29] =	ssyncadd.s32 $0xFFFFFFFF  }
0xb6: {  	_ =	strace $0x90000048  }
0xb7: {  	_ =	sfence  }
0xb8: {  	s30 =	sld [smem:$0x0];
	_ =	sdelay $0x2  }
0xb9: {  	s31 =	sshll.u32 s1, $0xD;
	s1 =	sshrl.u32 s1, $0x2  }
0xba: {  	s3 =	sand.u32 $0x4000, s31;
	s1 =	sadd.s32 s1, s30  }
0xbb: {  	s0 =	sor.u32 s3, s0;
	s1 =	sshll.u32 s1, $0x11  }
0xbc: {  	s0 =	sor.u32 s1, s0  }
0xbd: {  	s0 =	sadd.s32 $0x8F2B, s0  }
0xbe: {  	[sflag:s0] =	ssyncadd.remote.s32 $0x1  }
0xbf: {  	_ =	sfence.sel $0xFFFF  }
0xc0: {  	[dreg:$0x0] =	wrdreg $0xFFFFFFFF;
	(pc) =	sbr.abs _section_cstart, $3  }
0xc1: {  	[dreg:$0x1] =	wrdreg $0xFFFFFFFF  }
0xc2: {  	_ =	task.clear_ibuf [dreg:s6], $0x2FFFF;
	_ =	strace $0x9FFFFFFF  }
0xc3: {  	(tm) =	ssettm $0x7FFFFFFF  }
tec
execute0_lowered:
.L_overlay_start_1:
0x0: {  	(tag) =	ssettag $0x1  }
0x1: {  	s7 =	rddreg [dreg:$0x0]  }
0x2: {  	s0 =	srdreg.scid;
	s2 =	rddreg [dreg:$0x1]  }
0x3: {  	s24 =	stileid.u32;
	s3 =	rddreg [dreg:$0x2]  }
0x4: {  	s4 =	simm.s32 $0x0;
	s20 =	simm.s32 $0x190;
	s21 =	simm.s32 $0x4E20  }
0x5: {  	s22 =	simm.s32 $0xB220;
	s23 =	simm.s32 $0x1;
	s9 =	smul.u32 $0xA000, s24  }
0x6: {  	s28 =	simm.s32 $0x8;
	s29 =	simm.s32 $0x0;
	s10 =	smul.u32 $0x1400, s24  }
0x7: {  	s8 =	sand.u32 $0x1, s0;
	[smem:$0x7FF] =	sst s4;
	s12 =	smul.u32 $0x14000, s24  }
0x8: {  	s31 =	sshll.u32 s24, $0x6;
	s1 =	sshll.u32 s8, $0x4;
	_ =	strace $0x80000047  }
0x9: {  	s14 =	sshll.u32 s8, $0x6;
	s16 =	ssub.s32 $0x2, s8;
	s18 =	sadd.s32 s8, s7  }
0xa: {  	s5 =	sor.u32 s24, s1;
	s25 =	sshrl.u32 s9, $0x3;
	s26 =	sshrl.u32 s10, $0x3  }
0xb: {  	s14 =	sor.u32 s14, s12;
	s17 =	sshrl.u32 s16, $0x1;
	s30 =	sadd.s32 s9, s2  }
0xc: {  	s19 =	sadd.s32 s10, s3;
	s12 =	sshrl.u32 s12, $0x3;
	s24 =	simm.s32 $0x2  }
0xd: {  	s6 =	smul.u32 $0x4E2, s5;
	s5 =	sadd.s32 $0x17200, s7;
	s13 =	sadd.s32 s25, s7  }
0xe: {  	s15 =	sadd.s32 s26, s7;
	s14 =	sshrl.u32 s14, $0x3;
	s16 =	ssub.s32 s16, s17  }
0xf: {  	s12 =	sadd.s32 s12, s18;
	s17 =	sshrl.u32 s30, $0x3;
	s18 =	sshrl.u32 s19, $0x3  }
0x10: {  	s19 =	simm.s32 $0x1B620;
	s25 =	simm.s32 $0x4C90;
	s26 =	simm.s32 $0x10  }
0x11: {  	s14 =	sadd.s32 s14, s7;
	s9 =	sadd.s32 $0x3E400, s13;
	s10 =	sadd.s32 $0x52400, s15  }
0x12: {  	s12 =	sadd.s32 $0x7CE00, s12;
	s13 =	smax.u32 s16, $0x1;
	s11 =	sadd.s32 s6, s7  }
0x13: {  	s16 =	sor.u32 $0x1C03, s31;
	s6 =	sadd.s32 $0x54C00, s7;
	s7 =	sadd.s32 $0xD400, s11  }
0x14: {  	s8 =	sadd.s32 $0x3600, s11;
	s11 =	sadd.s32 $0x54E00, s14;
	s14 =	simm.s32 $0x3  }
.LBB2_1:
0x15: {  	[tilespmem:s4], [sflag:$0x3] =	stream.linear.gather [hbm4b:s7+s4], $0x2710, $0x38;
	[tilespmem:$0x1D6A0] =	vst v63  }
0x16: {  	_ =	swait.ge [sflag:s14], $0x2710  }
0x17: {  	[sflag:s14] =	ssyncset.done $0x0  }
0x18: {  	s0 =	simm.s32 $0x2710;
	[sflag:s14] =	ssyncadd.s32 $0xFFFFD8F0  }
0x19: {  	[tilespmem:s0], [sflag:$0x3] =	stream.linear.gather [hbm4b:s8+s4], $0x2710, $0x38;
	[tilespmem:$0x1D6A0] =	vst v63  }
0x1a: {  	_ =	swait.ge [sflag:s14], $0x2710  }
0x1b: {  	[sflag:s14] =	ssyncset.done $0x0  }
0x1c: {  	[sflag:s14] =	ssyncadd.s32 $0xFFFFD8F0  }
0x1d: {  	[spmem:s17], [sflag:s16] =	dma.local [hbm:s9], $0x1400  }
0x1e: {  	_ =	swait.ge [sflag:s14], $0x1400  }
0x1f: {  	[sflag:s14] =	ssyncset.done $0x0  }
0x20: {  	[sflag:s14] =	ssyncadd.s32 $0xFFFFEC00  }
0x21: {  	[spmem:s18], [sflag:s16] =	dma.local [hbm:s10], $0x280  }
0x22: {  	_ =	swait.ge [sflag:s14], $0x280  }
0x23: {  	[sflag:s14] =	ssyncset.done $0x0  }
0x24: {  	[sflag:s14] =	ssyncadd.s32 $0xFFFFFD80  }
0x25: {  	[tilespmem:s19], [sflag:$0x3] =	stream.linear.gather [hbm4b:s6+s4], $0xC80, $0x38;
	[tilespmem:$0x1D6A0] =	vst v63  }
0x26: {  	_ =	swait.ge [sflag:s14], $0xC80  }
0x27: {  	[sflag:s14] =	ssyncset.done $0x0  }
0x28: {  	[sflag:s14] =	ssyncadd.s32 $0xFFFFF380  }
0x29: {  	[bflag:$0x0] =	sbarrier.arrive $0xFFFF  }
0x2a: {  	[tilespmem:s21], [sflag:$0x1] =	stream.indirect.gather [hbm4b:s5+s20], $0x40, s4, s20, $0xb8;
	[tilespmem:$0x1D6A0] =	vst v63  }
0x2b: {  	s30 =	simm.s32 $0x190  }
0x2c: {  	[tilespmem:s22], [sflag:$0x2] =	stream.indirect.gather [hbm4b:s5+s20], $0x40, s30, s20, $0xb8;
	[tilespmem:$0x1D6A0] =	vst v63  }
0x2d: {  	_ =	swait.ge [sflag:s23], $0x6400  }
0x2e: {  	[sflag:s23] =	ssyncset.done $0x0  }
0x2f: {  	s30 =	simm.s32 $0x2710;
	[sflag:s23] =	ssyncadd.s32 $0xFFFF9C00  }
0x30: {  	[spmem:s2] =	stream.indirect.scatter.add.f32 [tilespmem:s21], [sflag:$0x3], $0x40, s30, s20, $0xb8;
	[tilespmem:$0x1D6A0] =	vst v63  }
0x31: {  	_ =	swait.ge [sflag:s14], $0x6400  }
0x32: {  	[sflag:s14] =	ssyncset.done $0x0  }
0x33: {  	[sflag:s14] =	ssyncadd.s32 $0xFFFF9C00  }
0x34: {  	[spmem:s3] =	stream.indirect.scatter.add.f32 [tilespmem:s19], [sflag:$0x3], $0x8, s30, s20, $0xb8;
	[tilespmem:$0x1D6A0] =	vst v63  }
0x35: {  	_ =	swait.ge [sflag:s14], $0xC80  }
0x36: {  	[sflag:s14] =	ssyncset.done $0x0  }
0x37: {  	s30 =	simm.s32 $0x320;
	[sflag:s14] =	ssyncadd.s32 $0xFFFFF380  }
0x38: {  	[tilespmem:s21], [sflag:$0x1] =	stream.indirect.gather [hbm4b:s5+s20], $0x40, s30, s20, $0xb8;
	[tilespmem:$0x1D6A0] =	vst v63  }
0x39: {  	_ =	swait.ge [sflag:s24], $0x6400  }
0x3a: {  	[sflag:s24] =	ssyncset.done $0x0  }
0x3b: {  	s30 =	simm.s32 $0x28A0;
	[sflag:s24] =	ssyncadd.s32 $0xFFFF9C00  }
0x3c: {  	[spmem:s2] =	stream.indirect.scatter.add.f32 [tilespmem:s22], [sflag:$0x3], $0x40, s30, s20, $0xb8;
	[tilespmem:$0x1D6A0] =	vst v63  }
0x3d: {  	_ =	swait.ge [sflag:s14], $0x6400  }
0x3e: {  	[sflag:s14] =	ssyncset.done $0x0  }
0x3f: {  	[sflag:s14] =	ssyncadd.s32 $0xFFFF9C00  }
0x40: {  	[spmem:s3] =	stream.indirect.scatter.add.f32 [tilespmem:s19], [sflag:$0x3], $0x8, s30, s20, $0xb8;
	[tilespmem:$0x1D6A0] =	vst v63  }
0x41: {  	_ =	swait.ge [sflag:s14], $0xC80  }
0x42: {  	s31 =	simm.s32 $0x1900;
	s30 =	simm.s32 $0x320;
	[sflag:s14] =	ssyncset.done $0x0  }
.LBB2_2:
0x43: {  	s1 =	sadd.s32 $0x190, s30  }
0x44: {  	[sflag:s14] =	ssyncadd.s32 $0xFFFFF380;
	s0 =	smov.u32 s31;
	s15 =	sadd.s32 $0xC80, s31  }
0x45: {  	[tilespmem:s22], [sflag:$0x2] =	stream.indirect.gather [hbm4b:s5+s20], $0x40, s1, s20, $0xb8;
	[tilespmem:$0x1D6A0] =	vst v63  }
0x46: {  	p0 =	sne.s32 s31, $0x8980;
	_ =	swait.ge [sflag:s23], $0x6400  }
0x47: {  	[sflag:s23] =	ssyncset.done $0x0  }
0x48: {  	s1 =	sadd.s32 $0x2710, s30;
	[sflag:s23] =	ssyncadd.s32 $0xFFFF9C00  }
0x49: {  	[spmem:s2] =	stream.indirect.scatter.add.f32 [tilespmem:s21], [sflag:$0x3], $0x40, s1, s20, $0xb8;
	[tilespmem:$0x1D6A0] =	vst v63  }
0x4a: {  	_ =	swait.ge [sflag:s14], $0x6400  }
0x4b: {  	[sflag:s14] =	ssyncset.done $0x0  }
0x4c: {  	[sflag:s14] =	ssyncadd.s32 $0xFFFF9C00  }
0x4d: {  	[spmem:s3] =	stream.indirect.scatter.add.f32 [tilespmem:s19], [sflag:$0x3], $0x8, s1, s20, $0xb8;
	[tilespmem:$0x1D6A0] =	vst v63  }
0x4e: {  	_ =	swait.ge [sflag:s14], $0xC80  }
0x4f: {  	[sflag:s14] =	ssyncset.done $0x0  }
0x50: {  	s1 =	sadd.s32 $0x320, s30;
	[sflag:s14] =	ssyncadd.s32 $0xFFFFF380  }
0x51: {  	[tilespmem:s21], [sflag:$0x1] =	stream.indirect.gather [hbm4b:s5+s20], $0x40, s1, s20, $0xb8;
	[tilespmem:$0x1D6A0] =	vst v63  }
0x52: {  	_ =	swait.ge [sflag:s24], $0x6400  }
0x53: {  	[sflag:s24] =	ssyncset.done $0x0  }
0x54: {  	s1 =	sadd.s32 $0x28A0, s30;
	[sflag:s24] =	ssyncadd.s32 $0xFFFF9C00  }
0x55: {  	[spmem:s2] =	stream.indirect.scatter.add.f32 [tilespmem:s22], [sflag:$0x3], $0x40, s1, s20, $0xb8;
	[tilespmem:$0x1D6A0] =	vst v63  }
0x56: {  	_ =	swait.ge [sflag:s14], $0x6400  }
.Ltmp0:
0x57: {  	[sflag:s14] =	ssyncset.done $0x0;
	(pc) =	sbr.rel @p0 .LBB2_2-.Ltmp0, $4  }
0x58: {  	[sflag:s14] =	ssyncadd.s32 $0xFFFF9C00  }
0x59: {  	[spmem:s3] =	stream.indirect.scatter.add.f32 [tilespmem:s19], [sflag:$0x3], $0x8, s1, s20, $0xb8;
	[tilespmem:$0x1D6A0] =	vst v63  }
0x5a: {  	_ =	swait.ge [sflag:s14], $0xC80  }
0x5b: {  	s31 =	smov.u32 s15;
	s30 =	sshra.s32 s0, $0x2;
	[sflag:s14] =	ssyncset.done $0x0  }
0x5c: {  	s0 =	sadd.s32 $0x190, s30;
	[sflag:s14] =	ssyncadd.s32 $0xFFFFF380  }
0x5d: {  	[tilespmem:s22], [sflag:$0x2] =	stream.indirect.gather [hbm4b:s5+s20], $0x40, s0, s20, $0xb8;
	[tilespmem:$0x1D6A0] =	vst v63  }
0x5e: {  	_ =	swait.ge [sflag:s23], $0x6400  }
0x5f: {  	[sflag:s23] =	ssyncset.done $0x0  }
0x60: {  	s1 =	sadd.s32 $0x2710, s30;
	[sflag:s23] =	ssyncadd.s32 $0xFFFF9C00  }
0x61: {  	[spmem:s2] =	stream.indirect.scatter.add.f32 [tilespmem:s21], [sflag:$0x3], $0x40, s1, s20, $0xb8;
	[tilespmem:$0x1D6A0] =	vst v63  }
0x62: {  	_ =	swait.ge [sflag:s14], $0x6400  }
0x63: {  	[sflag:s14] =	ssyncset.done $0x0  }
0x64: {  	[sflag:s14] =	ssyncadd.s32 $0xFFFF9C00  }
0x65: {  	[spmem:s3] =	stream.indirect.scatter.add.f32 [tilespmem:s19], [sflag:$0x3], $0x8, s1, s20, $0xb8;
	[tilespmem:$0x1D6A0] =	vst v63  }
0x66: {  	_ =	swait.ge [sflag:s14], $0xC80  }
0x67: {  	[sflag:s14] =	ssyncset.done $0x0  }
0x68: {  	s15 =	sadd.s32 $0x320, s30;
	[sflag:s14] =	ssyncadd.s32 $0xFFFFF380  }
0x69: {  	[tilespmem:s21], [sflag:$0x1] =	stream.indirect.gather [hbm4b:s5+s20], $0x40, s15, s20, $0xb8;
	[tilespmem:$0x1D6A0] =	vst v63  }
0x6a: {  	_ =	swait.ge [sflag:s24], $0x6400  }
0x6b: {  	[sflag:s24] =	ssyncset.done $0x0  }
0x6c: {  	s31 =	sadd.s32 $0x28A0, s30;
	[sflag:s24] =	ssyncadd.s32 $0xFFFF9C00  }
0x6d: {  	[spmem:s2] =	stream.indirect.scatter.add.f32 [tilespmem:s22], [sflag:$0x3], $0x40, s31, s20, $0xb8;
	[tilespmem:$0x1D6A0] =	vst v63  }
0x6e: {  	_ =	swait.ge [sflag:s14], $0x6400  }
0x6f: {  	[sflag:s14] =	ssyncset.done $0x0  }
0x70: {  	[sflag:s14] =	ssyncadd.s32 $0xFFFF9C00  }
0x71: {  	[spmem:s3] =	stream.indirect.scatter.add.f32 [tilespmem:s19], [sflag:$0x3], $0x8, s31, s20, $0xb8;
	[tilespmem:$0x1D6A0] =	vst v63  }
0x72: {  	_ =	swait.ge [sflag:s14], $0xC80  }
0x73: {  	[sflag:s14] =	ssyncset.done $0x0  }
0x74: {  	[sflag:s14] =	ssyncadd.s32 $0xFFFFF380  }
0x75: {  	_ =	swait.ge [sflag:s23], $0x6400  }
0x76: {  	[sflag:s23] =	ssyncset.done $0x0  }
0x77: {  	[sflag:s23] =	ssyncadd.s32 $0xFFFF9C00  }
0x78: {  	[spmem:s2] =	stream.indirect.scatter.add.f32 [tilespmem:s21], [sflag:$0x3], $0x40, s25, s20, $0xb8;
	[tilespmem:$0x1D6A0] =	vst v63  }
0x79: {  	_ =	swait.ge [sflag:s14], $0x6400  }
0x7a: {  	[sflag:s14] =	ssyncset.done $0x0  }
0x7b: {  	[sflag:s14] =	ssyncadd.s32 $0xFFFF9C00  }
0x7c: {  	[spmem:s3] =	stream.indirect.scatter.add.f32 [tilespmem:s19], [sflag:$0x3], $0x8, s25, s20, $0xb8;
	[tilespmem:$0x1D6A0] =	vst v63  }
0x7d: {  	_ =	swait.ge [sflag:s14], $0xC80  }
0x7e: {  	[sflag:s14] =	ssyncset.done $0x0  }
0x7f: {  	[sflag:s14] =	ssyncadd.s32 $0xFFFFF380  }
0x80: {  	[bflag:$0x0] =	sbarrier.arrive $0xFFFF  }
0x81: {  	[hbm:s11@s26], [sflag:s16] =	dma.strided [spmem:s17@s28], $0x1400, s23, $0x8   }
0x82: {  	s29 =	sadd.s32 $0x1, s29;
	_ =	swait.ge [sflag:s14], $0x1400  }
0x83: {  	p0 =	sne.s32 s29, s13;
	[sflag:s14] =	ssyncset.done $0x0  }
.Ltmp1:
0x84: {  	[sflag:s14] =	ssyncadd.s32 $0xFFFFEC00;
	(pc) =	sbr.rel @p0 .LBB2_1-.Ltmp1, $4  }
0x85: {  	[hbm:s12@s26], [sflag:s16] =	dma.strided [spmem:s18@s23], $0x280, s23, $0x1   }
0x86: {  	_ =	swait.ge [sflag:s14], $0x280  }
0x87: {  	[sflag:s14] =	ssyncset.done $0x0  }
0x88: {  	[sflag:s14] =	ssyncadd.s32 $0xFFFFFD80  }
0x89: {  	_ =	sfence.sel $0x180000  }
0x8a: {  	[bflag:$0x0] =	sbarrier.arrive $0xFFFF  }
0x8b: {  	_ =	strace $0x90000047  }
0x8c: {  	s0 =	stileid.u32;
	[bflag:$0x2] =	sbarrier.arrive $0xFFFF  }
0x8d: {  	p0 =	sne.s32 s0, $0x0;
	s0 =	rddreg [dreg:$0x3]  }
0x8e: {  	s0 =	sadd.s32 @!p0 $0x100000, s0  }
0x8f: {  	[sflag:s0] =	ssyncadd.tile.s32 @!p0 $0x1;
	_ =	shalt  }
.Lfunc_end2:
_tile_overlayer_lowered:
.L_overlay_start_2:
0x90: {  	(tag) =	ssettag $0x2  }
0x91: {  	s0 =	rddreg [dreg:$0x0];
	s2 =	stileid.u32  }
0x92: {  	s1 =	rddreg [dreg:$0x1];
	p0 =	sne.s32 s2, $0x0  }
0x93: {  	s3 =	rddreg [dreg:$0x2];
	[bflag:$0x3] =	sbarrier.arrive $0xFFFF;
	s2 =	simm.s32 @!p0 $0x1C03  }
0x94: {  	[timem:s3], [sflag:s2] =	dma.local @!p0 [hbm:s0], s1  }
0x95: {  	s0 =	simm.s32 @!p0 $0x3  }
0x96: {  	_ =	swait.ge @!p0 [sflag:s0], s1  }
0x97: {  	s1 =	ssub.s32 @!p0 $0x0, s1;
	[sflag:s0] =	ssyncset.done @!p0 $0x0  }
0x98: {  	[sflag:s0] =	ssyncadd.s32 @!p0 s1  }
0x99: {  	[bflag:$0x3] =	sbarrier.arrive $0xFFFF  }
0x9a: {  	_ =	shalt  }

</sc_bundles>
